<compile_context>
chip_gen: v7x
topology: tpu7x:2x2x1
jax: 0.10.2.dev20260603
libtpu: 0.0.44.dev20260713+nightly
codegen_flags: <defaults>
</compile_context>

<pallas_src>
import jax
import jax.numpy as jnp
import numpy as np
from jax import lax
from jax.experimental import pallas as pl
from jax.experimental.pallas import tpu as pltpu
from jax.experimental.pallas import tpu_sc as plsc


_G = 32


def _attn_body(a_ref, wq_ref, wk_ref, wv_ref, wo_ref, b_ref,
               msel_ref, onesb_ref, o_ref):
    G = _G
    L = a_ref.shape[1]
    C = a_ref.shape[2]
    a = a_ref[...].reshape(G * L, C)
    q = jnp.dot(a, wq_ref[...], preferred_element_type=jnp.float32) + b_ref[0, :][None, :]
    k = jnp.dot(a, wk_ref[...], preferred_element_type=jnp.float32) + b_ref[1, :][None, :]
    v = jnp.dot(a, wv_ref[...], preferred_element_type=jnp.float32) + b_ref[2, :][None, :]
    st = lax.dot_general(k, q, (((1,), (1,)), ((), ())),
                         preferred_element_type=jnp.float32)
    s3 = st.reshape(G, L, G * L)
    msel = msel_ref[...]
    srt = jnp.sum(s3 * msel[:, None, :], axis=0)
    pmax = jnp.max(srt, axis=0, keepdims=True)
    pe = jnp.exp(srt - pmax)
    p = pe / jnp.sum(pe, axis=0, keepdims=True)
    mg = lax.dot_general(onesb_ref[...], p, (((0,), (1,)), ((), ())),
                         preferred_element_type=jnp.float32)
    zt = jnp.concatenate([mg] * G, axis=1) * msel
    ctxm = jnp.dot(zt, v, preferred_element_type=jnp.float32)
    res = (jnp.dot(ctxm, wo_ref[...], preferred_element_type=jnp.float32)
           + b_ref[3, :][None, :])
    pad = pl.program_id(0) == pl.num_programs(0) - 1
    o_ref[...] = jnp.where(pad, 0.0, res)


def _anchor_attention(anchors, wq_t, wk_t, wv_t, wo_t, b_stack, msel, onesb):
    N, L, C = anchors.shape
    grid = N // _G + 1
    last = N // _G - 1
    return pl.pallas_call(
        _attn_body,
        grid=(grid,),
        in_specs=[
            pl.BlockSpec((_G, L, C), lambda n: (jnp.minimum(n, last), 0, 0)),
            pl.BlockSpec((C, C), lambda n: (0, 0)),
            pl.BlockSpec((C, C), lambda n: (0, 0)),
            pl.BlockSpec((C, C), lambda n: (0, 0)),
            pl.BlockSpec((C, C), lambda n: (0, 0)),
            pl.BlockSpec((8, C), lambda n: (0, 0)),
            pl.BlockSpec((_G, _G * L), lambda n: (0, 0)),
            pl.BlockSpec((_G * L, _G), lambda n: (0, 0)),
        ],
        out_specs=pl.BlockSpec((_G, C), lambda n: (n, 0)),
        out_shape=jax.ShapeDtypeStruct((N + _G, C), jnp.float32),
    )(anchors, wq_t, wk_t, wv_t, wo_t, b_stack, msel, onesb)



_NC = 2
_NS = 16
_NW = _NC * _NS
_P = 128


def _gather_add_body(table_hbm, idx_hbm, feat_hbm, out_hbm,
                     idx_v, rows_v, feat_v,
                     ix0, ix1, gt0, gt1, ft0, ft1, ot0, ot1):
    C = rows_v.shape[2]
    pix = idx_hbm.shape[0]
    per_w = pix // _NW
    n_chunks = per_w // _P
    ix = (ix0, ix1)
    gt = (gt0, gt1)
    ft = (ft0, ft1)
    ot = (ot0, ot1)
    wid = lax.axis_index("s") * _NC + lax.axis_index("c")
    base = wid * per_w

    pltpu.async_copy(idx_hbm.at[pl.ds(base, _P)], idx_v.at[0], ix[0])

    def outer(ci2, carry):
        for b in (0, 1):
            ci = ci2 * 2 + b
            off = base + ci * _P

            @pl.when(ci2 > 0)
            def _():
                pltpu.make_async_copy(
                    rows_v.at[b], out_hbm.at[pl.ds(0, _P)], ot[b]).wait()

            pltpu.make_async_copy(
                idx_hbm.at[pl.ds(0, _P)], idx_v.at[b], ix[b]).wait()

            nrow = table_hbm.shape[0] - 1
            for cc in range(_P // 16):
                sl = pl.ds(cc * 16, 16)
                x = idx_v[b, sl]
                idx_v[b, sl] = jnp.where(x == 0, nrow, x - 1)

            gather = pltpu.async_copy(
                table_hbm.at[idx_v.at[b]], rows_v.at[b], gt[b])
            featc = pltpu.async_copy(
                feat_hbm.at[pl.ds(off, _P)], feat_v.at[b], ft[b])

            @pl.when(ci + 1 < n_chunks)
            def _():
                pltpu.async_copy(
                    idx_hbm.at[pl.ds(off + _P, _P)], idx_v.at[1 - b], ix[1 - b])

            gather.wait()
            featc.wait()

            def add_pix(j, c2):
                for cc in range(C // 16):
                    sl = pl.ds(cc * 16, 16)
                    plsc.addupdate(rows_v.at[b, j, sl], feat_v[b, j, sl])
                return c2

            lax.fori_loop(0, _P, add_pix, 0, unroll=2)

            pltpu.async_copy(rows_v.at[b], out_hbm.at[pl.ds(off, _P)], ot[b])
        return carry

    lax.fori_loop(0, n_chunks // 2, outer, 0)
    for b in (0, 1):
        pltpu.make_async_copy(
            rows_v.at[b], out_hbm.at[pl.ds(0, _P)], ot[b]).wait()


def _gather_add(table, ids_flat, feat_flat):
    pix, C = feat_flat.shape
    mesh = plsc.VectorSubcoreMesh(
        core_axis_name="c", subcore_axis_name="s",
        num_cores=_NC, num_subcores=_NS)
    run = pl.kernel(
        _gather_add_body,
        out_type=jax.ShapeDtypeStruct((pix, C), jnp.float32),
        mesh=mesh,
        scratch_types=[
            pltpu.VMEM((2, _P), jnp.int32),
            pltpu.VMEM((2, _P, C), jnp.float32),
            pltpu.VMEM((2, _P, C), jnp.float32),
        ] + [pltpu.SemaphoreType.DMA] * 8,
    )
    return run(table, ids_flat, feat_flat)



def kernel(features, anchors, instances_in_view,
           in_proj_w, in_proj_b, out_proj_w, out_proj_b):
    B, H, W, C = features.shape
    L = anchors.shape[1]
    wq, wk, wv = jnp.split(in_proj_w, 3, axis=0)
    bq, bk, bv = jnp.split(in_proj_b, 3)
    scale = 1.0 / float(np.sqrt(C))
    b_stack = jnp.stack(
        [bq * scale, bk, bv, out_proj_b,
         jnp.zeros_like(bq), jnp.zeros_like(bq),
         jnp.zeros_like(bq), jnp.zeros_like(bq)], axis=0)

    jblk = np.arange(_G * L) // L
    msel = jnp.asarray((jblk[None, :] == np.arange(_G)[:, None])
                       .astype(np.float32))
    onesb = jnp.asarray((jblk[:, None] == np.arange(_G)[None, :])
                        .astype(np.float32) / L)

    table = _anchor_attention(
        anchors, wq.T * scale, wk.T, wv.T, out_proj_w.T, b_stack, msel, onesb)

    ids_flat = instances_in_view.reshape(-1)
    feat_flat = features.reshape(-1, C)
    out = _gather_add(table, ids_flat, feat_flat)
    return out.reshape(B, H, W, C)

# --- scband reference (transcript-rebuilt; emitter-appended) ---
"""Pipeline reference for scband-anchor-transformer-22265110462889 (READ-ONLY COPY).

The authoritative reference and input builder live on the scoring server;
editing this copy changes nothing except your own understanding.
"""

import jax, jax.numpy as jnp
import numpy as np


def setup_inputs(seed: int = 0):
    key = jax.random.key(seed)
    ks = jax.random.split(key, 8)
    B, H, W, C = 16, 128, 128, 128
    N, L = 1024, 32
    features = jax.random.normal(ks[0], (B, H, W, C), dtype=jnp.float32)
    anchors = jax.random.normal(ks[1], (N, L, C), dtype=jnp.float32)
    instances_in_view = jax.random.randint(ks[2], (B, H, W), 0, N + 1).astype(jnp.int32)
    s = 1.0 / np.sqrt(C)
    in_proj_w = jax.random.uniform(ks[3], (3 * C, C), jnp.float32, -s, s)
    in_proj_b = jnp.zeros((3 * C,), jnp.float32)
    out_proj_w = jax.random.uniform(ks[4], (C, C), jnp.float32, -s, s)
    out_proj_b = jnp.zeros((C,), jnp.float32)
    return {"features": features, "anchors": anchors, "instances_in_view": instances_in_view,
            "in_proj_w": in_proj_w, "in_proj_b": in_proj_b,
            "out_proj_w": out_proj_w, "out_proj_b": out_proj_b}


def reference(features, anchors, instances_in_view, in_proj_w, in_proj_b, out_proj_w, out_proj_b):
    # self-attention anchor path, num_mapping_layers=0, num_heads=1 -> Identity maps,
    # nn.MultiheadAttention(anchor_dim, 1, batch_first=True), output_type='mean'.
    E = anchors.shape[-1]
    Wq, Wk, Wv = jnp.split(in_proj_w, 3, axis=0)
    bq, bk, bv = jnp.split(in_proj_b, 3)
    # _map_inputs: identity (no 'token' output_type)
    q = anchors @ Wq.T + bq
    k = anchors @ Wk.T + bk
    v = anchors @ Wv.T + bv
    scores = jnp.einsum('nld,nmd->nlm', q, k) / jnp.sqrt(E).astype(jnp.float32)
    attn = jax.nn.softmax(scores, axis=-1)
    ctx = jnp.einsum('nlm,nmd->nld', attn, v)
    out = ctx @ out_proj_w.T + out_proj_b
    # _map_outputs: Identity then mean over sequence dim -> per-instance anchor vector
    anchor_out = out.mean(axis=1)  # [N, E]
    # _apply_outputs: gather per-pixel anchor feature by (instance_id - 1), zero background
    B, H, W, C = features.shape
    idx = instances_in_view.reshape(-1) - 1  # background -> -1 (wraps like torch indexing)
    bg = (idx == -1)
    gathered = anchor_out[idx]  # negative -1 wraps to last row, then masked to 0
    gathered = jnp.where(bg[:, None], jnp.zeros((), jnp.float32), gathered)
    anchor_feats = gathered.reshape(B, H, W, C)
    return features + anchor_feats

if __name__ == "__main__":
    import jax
    _d = setup_inputs()
    print(jax.jit(kernel)(*tuple(_d.values())))

</pallas_src>

<mosaic_0001>
#map = affine_map<(d0, d1) -> (0, 0)>
#map1 = affine_map<(d0, d1) -> (0)>
module attributes {stable_mosaic.version = 14 : i64} {
  func.func @_gather_add_body(%arg0: i32, %arg1: i32, %arg2: memref<1056x128xf32, #tpu.memory_space<hbm>>, %arg3: memref<262144xi32, #tpu.memory_space<hbm>>, %arg4: memref<262144x128xf32, #tpu.memory_space<hbm>>, %arg5: memref<262144x128xf32, #tpu.memory_space<hbm>>, %arg6: memref<2x128xi32, #tpu.memory_space<vmem>>, %arg7: memref<2x128x128xf32, #tpu.memory_space<vmem>>, %arg8: memref<2x128x128xf32, #tpu.memory_space<vmem>>, %arg9: memref<!tpu.dma_semaphore, #tpu.memory_space<semaphore_mem>>, %arg10: memref<!tpu.dma_semaphore, #tpu.memory_space<semaphore_mem>>, %arg11: memref<!tpu.dma_semaphore, #tpu.memory_space<semaphore_mem>>, %arg12: memref<!tpu.dma_semaphore, #tpu.memory_space<semaphore_mem>>, %arg13: memref<!tpu.dma_semaphore, #tpu.memory_space<semaphore_mem>>, %arg14: memref<!tpu.dma_semaphore, #tpu.memory_space<semaphore_mem>>, %arg15: memref<!tpu.dma_semaphore, #tpu.memory_space<semaphore_mem>>, %arg16: memref<!tpu.dma_semaphore, #tpu.memory_space<semaphore_mem>>) attributes {dimension_semantics = [#tpu.dimension_semantics<core_parallel>, #tpu.dimension_semantics<subcore_parallel>], iteration_bounds = array<i64: 2, 16>, scalar_prefetch = 0 : i64, scratch_operands = 11 : i64, tpu.core_type = #tpu.core_type<sc_vector_subcore>, window_params = [{transform_indices = #map}, {transform_indices = #map1}, {transform_indices = #map}, {transform_indices = #map}]} {
    %mul3A = arith.constant 2 : i32
    %mul3A_0 = arith.muli %arg1, %mul3A : i32
    %add3A = arith.addi %mul3A_0, %arg0 : i32
    %mul3A_1 = arith.constant 8192 : i32
    %mul3A_2 = arith.muli %add3A, %mul3A_1 : i32
    %dma_start3A = arith.constant 0 : i32
    %dma_start3A_3 = arith.constant 0 : i32
    %dma_start3A_4 = tpu.memref_slice %arg6[%dma_start3A, %dma_start3A_3] : memref<2x128xi32, #tpu.memory_space<vmem>> -> memref<1x128xi32, #tpu.memory_space<vmem>>
    %dma_start3A_5 = tpu.memref_squeeze %dma_start3A_4 : memref<1x128xi32, #tpu.memory_space<vmem>> -> memref<128xi32, #tpu.memory_space<vmem>>
    %dma_start3A_6 = tpu.memref_slice %arg3[%mul3A_2] : memref<262144xi32, #tpu.memory_space<hbm>> -> memref<128xi32, #tpu.memory_space<hbm>>
    %dma_start3A_7 = arith.constant 0 : i32
    %dma_start3A_8 = tpu.memref_slice %arg6[%dma_start3A, %dma_start3A_7] : memref<2x128xi32, #tpu.memory_space<vmem>> -> memref<1x128xi32, #tpu.memory_space<vmem>>
    %dma_start3A_9 = tpu.memref_squeeze %dma_start3A_8 : memref<1x128xi32, #tpu.memory_space<vmem>> -> memref<128xi32, #tpu.memory_space<vmem>>
    %dma_start3A_10 = tpu.memref_slice %arg3[%mul3A_2] : memref<262144xi32, #tpu.memory_space<hbm>> -> memref<128xi32, #tpu.memory_space<hbm>>
    tpu.enqueue_dma source(%dma_start3A_10 : memref<128xi32, #tpu.memory_space<hbm>>) target(%dma_start3A_9 : memref<128xi32, #tpu.memory_space<vmem>>) target_semaphore(%arg9 : memref<!tpu.dma_semaphore, #tpu.memory_space<semaphore_mem>>)
    %scan3A = arith.constant 0 : i32
    %scan3A_11 = arith.constant 0 : i32
    %scan3A_12 = arith.constant 32 : i32
    %scan3A_13 = arith.addi %scan3A_11, %scan3A_12 : i32
    %scan3A_14 = arith.constant 1 : i32
    scf.for %scan3A_45 = %scan3A_11 to %scan3A_13 step %scan3A_14  : i32 {
      %mul3A_46 = arith.constant 2 : i32
      %mul3A_47 = arith.muli %scan3A_45, %mul3A_46 : i32
      %add3A_48 = arith.constant 0 : i32
      %add3A_49 = arith.addi %mul3A_47, %add3A_48 : i32
      %mul3A_50 = arith.constant 128 : i32
      %mul3A_51 = arith.muli %add3A_49, %mul3A_50 : i32
      %add3A_52 = arith.addi %mul3A_2, %mul3A_51 : i32
      %gt3A = arith.constant 0 : i32
      %gt3A_53 = arith.cmpi sgt, %scan3A_45, %gt3A : i32
      %convert_element_type3A = arith.extui %gt3A_53 : i1 to i32
      %cond3A = arith.constant 0 : i32
      %cond3A_54 = arith.cmpi ne, %convert_element_type3A, %cond3A : i32
      scf.if %cond3A_54 {
        %dma_wait3A_553 = arith.constant 0 : i32
        %dma_wait3A_554 = arith.constant 0 : i32
        %dma_wait3A_555 = arith.constant 0 : i32
        %dma_wait3A_556 = tpu.memref_slice %arg7[%dma_wait3A_553, %dma_wait3A_554, %dma_wait3A_555] : memref<2x128x128xf32, #tpu.memory_space<vmem>> -> memref<1x128x128xf32, #tpu.memory_space<vmem>>
        %dma_wait3A_557 = tpu.memref_squeeze %dma_wait3A_556 : memref<1x128x128xf32, #tpu.memory_space<vmem>> -> memref<128x128xf32, #tpu.memory_space<vmem>>
        %dma_wait3A_558 = arith.constant 0 : i32
        %dma_wait3A_559 = arith.constant 0 : i32
        %dma_wait3A_560 = tpu.memref_slice %arg5[%dma_wait3A_558, %dma_wait3A_559] : memref<262144x128xf32, #tpu.memory_space<hbm>> -> memref<128x128xf32, #tpu.memory_space<hbm>>
        %dma_wait3A_561 = arith.constant 0 : i32
        %dma_wait3A_562 = arith.constant 0 : i32
        %dma_wait3A_563 = tpu.memref_slice %arg5[%dma_wait3A_561, %dma_wait3A_562] : memref<262144x128xf32, #tpu.memory_space<hbm>> -> memref<128x128xf32, #tpu.memory_space<hbm>>
        %dma_wait3A_564 = arith.constant 0 : i32
        %dma_wait3A_565 = arith.constant 0 : i32
        %dma_wait3A_566 = tpu.memref_slice %arg7[%dma_wait3A_553, %dma_wait3A_564, %dma_wait3A_565] : memref<2x128x128xf32, #tpu.memory_space<vmem>> -> memref<1x128x128xf32, #tpu.memory_space<vmem>>
        %dma_wait3A_567 = tpu.memref_squeeze %dma_wait3A_566 : memref<1x128x128xf32, #tpu.memory_space<vmem>> -> memref<128x128xf32, #tpu.memory_space<vmem>>
        tpu.wait_dma2 semaphore(%arg15 : memref<!tpu.dma_semaphore, #tpu.memory_space<semaphore_mem>>) src(%dma_wait3A_567 : memref<128x128xf32, #tpu.memory_space<vmem>>) dst(%dma_wait3A_563 : memref<128x128xf32, #tpu.memory_space<hbm>>)
      } else {
      }
      %dma_wait3A_55 = arith.constant 0 : i32
      %dma_wait3A_56 = arith.constant 0 : i32
      %dma_wait3A_57 = tpu.memref_slice %arg6[%dma_wait3A_55, %dma_wait3A_56] : memref<2x128xi32, #tpu.memory_space<vmem>> -> memref<1x128xi32, #tpu.memory_space<vmem>>
      %dma_wait3A_58 = tpu.memref_squeeze %dma_wait3A_57 : memref<1x128xi32, #tpu.memory_space<vmem>> -> memref<128xi32, #tpu.memory_space<vmem>>
      %dma_wait3A_59 = arith.constant 0 : i32
      %dma_wait3A_60 = tpu.memref_slice %arg3[%dma_wait3A_59] : memref<262144xi32, #tpu.memory_space<hbm>> -> memref<128xi32, #tpu.memory_space<hbm>>
      %dma_wait3A_61 = arith.constant 0 : i32
      %dma_wait3A_62 = tpu.memref_slice %arg6[%dma_wait3A_55, %dma_wait3A_61] : memref<2x128xi32, #tpu.memory_space<vmem>> -> memref<1x128xi32, #tpu.memory_space<vmem>>
      %dma_wait3A_63 = tpu.memref_squeeze %dma_wait3A_62 : memref<1x128xi32, #tpu.memory_space<vmem>> -> memref<128xi32, #tpu.memory_space<vmem>>
      %dma_wait3A_64 = arith.constant 0 : i32
      %dma_wait3A_65 = tpu.memref_slice %arg3[%dma_wait3A_64] : memref<262144xi32, #tpu.memory_space<hbm>> -> memref<128xi32, #tpu.memory_space<hbm>>
      tpu.wait_dma2 semaphore(%arg9 : memref<!tpu.dma_semaphore, #tpu.memory_space<semaphore_mem>>) src(%dma_wait3A_65 : memref<128xi32, #tpu.memory_space<hbm>>) dst(%dma_wait3A_63 : memref<128xi32, #tpu.memory_space<vmem>>)
      %get3A = arith.constant 0 : i32
      %get3A_66 = arith.index_cast %get3A : i32 to index
      %get3A_67 = arith.constant 0 : index
      %get3A_68 = tpu.vector_load %arg6[%get3A_66, %get3A_67] {strides = array<i32>} : memref<2x128xi32, #tpu.memory_space<vmem>>, vector<1x16xi32>,
      %get3A_69 = vector.shape_cast %get3A_68 : vector<1x16xi32> to vector<16xi32>
      %eq3A = arith.constant 0 : i32
      %eq3A_70 = vector.broadcast %eq3A : i32 to vector<16xi32>
      %eq3A_71 = arith.cmpi eq, %get3A_69, %eq3A_70 : vector<16xi32>
      %sub3A = arith.constant 1 : i32
      %sub3A_72 = vector.broadcast %sub3A : i32 to vector<16xi32>
      %sub3A_73 = arith.subi %get3A_69, %sub3A_72 : vector<16xi32>
      %jit3A = arith.constant 1055 : i32
      %broadcast_in_dim3A = vector.broadcast %jit3A : i32 to vector<16xi32>
      %select_n3A = arith.select %eq3A_71, %broadcast_in_dim3A, %sub3A_73 : vector<16xi1>, vector<16xi32>
      %swap3A = arith.constant 0 : i32
      %swap3A_74 = arith.index_cast %swap3A : i32 to index
      %swap3A_75 = arith.constant 0 : index
      %swap3A_76 = tpu.vector_load %arg6[%swap3A_74, %swap3A_75] {strides = array<i32>} : memref<2x128xi32, #tpu.memory_space<vmem>>, vector<1x16xi32>,
      %swap3A_77 = vector.shape_cast %swap3A_76 : vector<1x16xi32> to vector<16xi32>
      %swap3A_78 = vector.shape_cast %select_n3A : vector<16xi32> to vector<1x16xi32>
      tpu.vector_store %arg6[%swap3A_74, %swap3A_75], %swap3A_78 {strides = array<i32>} : memref<2x128xi32, #tpu.memory_space<vmem>>, vector<1x16xi32>,
      %get3A_79 = arith.constant 0 : i32
      %get3A_80 = arith.index_cast %get3A_79 : i32 to index
      %get3A_81 = arith.constant 16 : index
      %get3A_82 = tpu.vector_load %arg6[%get3A_80, %get3A_81] {strides = array<i32>} : memref<2x128xi32, #tpu.memory_space<vmem>>, vector<1x16xi32>,
      %get3A_83 = vector.shape_cast %get3A_82 : vector<1x16xi32> to vector<16xi32>
      %eq3A_84 = arith.constant 0 : i32
      %eq3A_85 = vector.broadcast %eq3A_84 : i32 to vector<16xi32>
      %eq3A_86 = arith.cmpi eq, %get3A_83, %eq3A_85 : vector<16xi32>
      %sub3A_87 = arith.constant 1 : i32
      %sub3A_88 = vector.broadcast %sub3A_87 : i32 to vector<16xi32>
      %sub3A_89 = arith.subi %get3A_83, %sub3A_88 : vector<16xi32>
      %jit3A_90 = arith.constant 1055 : i32
      %broadcast_in_dim3A_91 = vector.broadcast %jit3A_90 : i32 to vector<16xi32>
      %select_n3A_92 = arith.select %eq3A_86, %broadcast_in_dim3A_91, %sub3A_89 : vector<16xi1>, vector<16xi32>
      %swap3A_93 = arith.constant 0 : i32
      %swap3A_94 = arith.index_cast %swap3A_93 : i32 to index
      %swap3A_95 = arith.constant 16 : index
      %swap3A_96 = tpu.vector_load %arg6[%swap3A_94, %swap3A_95] {strides = array<i32>} : memref<2x128xi32, #tpu.memory_space<vmem>>, vector<1x16xi32>,
      %swap3A_97 = vector.shape_cast %swap3A_96 : vector<1x16xi32> to vector<16xi32>
      %swap3A_98 = vector.shape_cast %select_n3A_92 : vector<16xi32> to vector<1x16xi32>
      tpu.vector_store %arg6[%swap3A_94, %swap3A_95], %swap3A_98 {strides = array<i32>} : memref<2x128xi32, #tpu.memory_space<vmem>>, vector<1x16xi32>,
      %get3A_99 = arith.constant 0 : i32
      %get3A_100 = arith.index_cast %get3A_99 : i32 to index
      %get3A_101 = arith.constant 32 : index
      %get3A_102 = tpu.vector_load %arg6[%get3A_100, %get3A_101] {strides = array<i32>} : memref<2x128xi32, #tpu.memory_space<vmem>>, vector<1x16xi32>,
      %get3A_103 = vector.shape_cast %get3A_102 : vector<1x16xi32> to vector<16xi32>
      %eq3A_104 = arith.constant 0 : i32
      %eq3A_105 = vector.broadcast %eq3A_104 : i32 to vector<16xi32>
      %eq3A_106 = arith.cmpi eq, %get3A_103, %eq3A_105 : vector<16xi32>
      %sub3A_107 = arith.constant 1 : i32
      %sub3A_108 = vector.broadcast %sub3A_107 : i32 to vector<16xi32>
      %sub3A_109 = arith.subi %get3A_103, %sub3A_108 : vector<16xi32>
      %jit3A_110 = arith.constant 1055 : i32
      %broadcast_in_dim3A_111 = vector.broadcast %jit3A_110 : i32 to vector<16xi32>
      %select_n3A_112 = arith.select %eq3A_106, %broadcast_in_dim3A_111, %sub3A_109 : vector<16xi1>, vector<16xi32>
      %swap3A_113 = arith.constant 0 : i32
      %swap3A_114 = arith.index_cast %swap3A_113 : i32 to index
      %swap3A_115 = arith.constant 32 : index
      %swap3A_116 = tpu.vector_load %arg6[%swap3A_114, %swap3A_115] {strides = array<i32>} : memref<2x128xi32, #tpu.memory_space<vmem>>, vector<1x16xi32>,
      %swap3A_117 = vector.shape_cast %swap3A_116 : vector<1x16xi32> to vector<16xi32>
      %swap3A_118 = vector.shape_cast %select_n3A_112 : vector<16xi32> to vector<1x16xi32>
      tpu.vector_store %arg6[%swap3A_114, %swap3A_115], %swap3A_118 {strides = array<i32>} : memref<2x128xi32, #tpu.memory_space<vmem>>, vector<1x16xi32>,
      %get3A_119 = arith.constant 0 : i32
      %get3A_120 = arith.index_cast %get3A_119 : i32 to index
      %get3A_121 = arith.constant 48 : index
      %get3A_122 = tpu.vector_load %arg6[%get3A_120, %get3A_121] {strides = array<i32>} : memref<2x128xi32, #tpu.memory_space<vmem>>, vector<1x16xi32>,
      %get3A_123 = vector.shape_cast %get3A_122 : vector<1x16xi32> to vector<16xi32>
      %eq3A_124 = arith.constant 0 : i32
      %eq3A_125 = vector.broadcast %eq3A_124 : i32 to vector<16xi32>
      %eq3A_126 = arith.cmpi eq, %get3A_123, %eq3A_125 : vector<16xi32>
      %sub3A_127 = arith.constant 1 : i32
      %sub3A_128 = vector.broadcast %sub3A_127 : i32 to vector<16xi32>
      %sub3A_129 = arith.subi %get3A_123, %sub3A_128 : vector<16xi32>
      %jit3A_130 = arith.constant 1055 : i32
      %broadcast_in_dim3A_131 = vector.broadcast %jit3A_130 : i32 to vector<16xi32>
      %select_n3A_132 = arith.select %eq3A_126, %broadcast_in_dim3A_131, %sub3A_129 : vector<16xi1>, vector<16xi32>
      %swap3A_133 = arith.constant 0 : i32
      %swap3A_134 = arith.index_cast %swap3A_133 : i32 to index
      %swap3A_135 = arith.constant 48 : index
      %swap3A_136 = tpu.vector_load %arg6[%swap3A_134, %swap3A_135] {strides = array<i32>} : memref<2x128xi32, #tpu.memory_space<vmem>>, vector<1x16xi32>,
      %swap3A_137 = vector.shape_cast %swap3A_136 : vector<1x16xi32> to vector<16xi32>
      %swap3A_138 = vector.shape_cast %select_n3A_132 : vector<16xi32> to vector<1x16xi32>
      tpu.vector_store %arg6[%swap3A_134, %swap3A_135], %swap3A_138 {strides = array<i32>} : memref<2x128xi32, #tpu.memory_space<vmem>>, vector<1x16xi32>,
      %get3A_139 = arith.constant 0 : i32
      %get3A_140 = arith.index_cast %get3A_139 : i32 to index
      %get3A_141 = arith.constant 64 : index
      %get3A_142 = tpu.vector_load %arg6[%get3A_140, %get3A_141] {strides = array<i32>} : memref<2x128xi32, #tpu.memory_space<vmem>>, vector<1x16xi32>,
      %get3A_143 = vector.shape_cast %get3A_142 : vector<1x16xi32> to vector<16xi32>
      %eq3A_144 = arith.constant 0 : i32
      %eq3A_145 = vector.broadcast %eq3A_144 : i32 to vector<16xi32>
      %eq3A_146 = arith.cmpi eq, %get3A_143, %eq3A_145 : vector<16xi32>
      %sub3A_147 = arith.constant 1 : i32
      %sub3A_148 = vector.broadcast %sub3A_147 : i32 to vector<16xi32>
      %sub3A_149 = arith.subi %get3A_143, %sub3A_148 : vector<16xi32>
      %jit3A_150 = arith.constant 1055 : i32
      %broadcast_in_dim3A_151 = vector.broadcast %jit3A_150 : i32 to vector<16xi32>
      %select_n3A_152 = arith.select %eq3A_146, %broadcast_in_dim3A_151, %sub3A_149 : vector<16xi1>, vector<16xi32>
      %swap3A_153 = arith.constant 0 : i32
      %swap3A_154 = arith.index_cast %swap3A_153 : i32 to index
      %swap3A_155 = arith.constant 64 : index
      %swap3A_156 = tpu.vector_load %arg6[%swap3A_154, %swap3A_155] {strides = array<i32>} : memref<2x128xi32, #tpu.memory_space<vmem>>, vector<1x16xi32>,
      %swap3A_157 = vector.shape_cast %swap3A_156 : vector<1x16xi32> to vector<16xi32>
      %swap3A_158 = vector.shape_cast %select_n3A_152 : vector<16xi32> to vector<1x16xi32>
      tpu.vector_store %arg6[%swap3A_154, %swap3A_155], %swap3A_158 {strides = array<i32>} : memref<2x128xi32, #tpu.memory_space<vmem>>, vector<1x16xi32>,
      %get3A_159 = arith.constant 0 : i32
      %get3A_160 = arith.index_cast %get3A_159 : i32 to index
      %get3A_161 = arith.constant 80 : index
      %get3A_162 = tpu.vector_load %arg6[%get3A_160, %get3A_161] {strides = array<i32>} : memref<2x128xi32, #tpu.memory_space<vmem>>, vector<1x16xi32>,
      %get3A_163 = vector.shape_cast %get3A_162 : vector<1x16xi32> to vector<16xi32>
      %eq3A_164 = arith.constant 0 : i32
      %eq3A_165 = vector.broadcast %eq3A_164 : i32 to vector<16xi32>
      %eq3A_166 = arith.cmpi eq, %get3A_163, %eq3A_165 : vector<16xi32>
      %sub3A_167 = arith.constant 1 : i32
      %sub3A_168 = vector.broadcast %sub3A_167 : i32 to vector<16xi32>
      %sub3A_169 = arith.subi %get3A_163, %sub3A_168 : vector<16xi32>
      %jit3A_170 = arith.constant 1055 : i32
      %broadcast_in_dim3A_171 = vector.broadcast %jit3A_170 : i32 to vector<16xi32>
      %select_n3A_172 = arith.select %eq3A_166, %broadcast_in_dim3A_171, %sub3A_169 : vector<16xi1>, vector<16xi32>
      %swap3A_173 = arith.constant 0 : i32
      %swap3A_174 = arith.index_cast %swap3A_173 : i32 to index
      %swap3A_175 = arith.constant 80 : index
      %swap3A_176 = tpu.vector_load %arg6[%swap3A_174, %swap3A_175] {strides = array<i32>} : memref<2x128xi32, #tpu.memory_space<vmem>>, vector<1x16xi32>,
      %swap3A_177 = vector.shape_cast %swap3A_176 : vector<1x16xi32> to vector<16xi32>
      %swap3A_178 = vector.shape_cast %select_n3A_172 : vector<16xi32> to vector<1x16xi32>
      tpu.vector_store %arg6[%swap3A_174, %swap3A_175], %swap3A_178 {strides = array<i32>} : memref<2x128xi32, #tpu.memory_space<vmem>>, vector<1x16xi32>,
      %get3A_179 = arith.constant 0 : i32
      %get3A_180 = arith.index_cast %get3A_179 : i32 to index
      %get3A_181 = arith.constant 96 : index
      %get3A_182 = tpu.vector_load %arg6[%get3A_180, %get3A_181] {strides = array<i32>} : memref<2x128xi32, #tpu.memory_space<vmem>>, vector<1x16xi32>,
      %get3A_183 = vector.shape_cast %get3A_182 : vector<1x16xi32> to vector<16xi32>
      %eq3A_184 = arith.constant 0 : i32
      %eq3A_185 = vector.broadcast %eq3A_184 : i32 to vector<16xi32>
      %eq3A_186 = arith.cmpi eq, %get3A_183, %eq3A_185 : vector<16xi32>
      %sub3A_187 = arith.constant 1 : i32
      %sub3A_188 = vector.broadcast %sub3A_187 : i32 to vector<16xi32>
      %sub3A_189 = arith.subi %get3A_183, %sub3A_188 : vector<16xi32>
      %jit3A_190 = arith.constant 1055 : i32
      %broadcast_in_dim3A_191 = vector.broadcast %jit3A_190 : i32 to vector<16xi32>
      %select_n3A_192 = arith.select %eq3A_186, %broadcast_in_dim3A_191, %sub3A_189 : vector<16xi1>, vector<16xi32>
      %swap3A_193 = arith.constant 0 : i32
      %swap3A_194 = arith.index_cast %swap3A_193 : i32 to index
      %swap3A_195 = arith.constant 96 : index
      %swap3A_196 = tpu.vector_load %arg6[%swap3A_194, %swap3A_195] {strides = array<i32>} : memref<2x128xi32, #tpu.memory_space<vmem>>, vector<1x16xi32>,
      %swap3A_197 = vector.shape_cast %swap3A_196 : vector<1x16xi32> to vector<16xi32>
      %swap3A_198 = vector.shape_cast %select_n3A_192 : vector<16xi32> to vector<1x16xi32>
      tpu.vector_store %arg6[%swap3A_194, %swap3A_195], %swap3A_198 {strides = array<i32>} : memref<2x128xi32, #tpu.memory_space<vmem>>, vector<1x16xi32>,
      %get3A_199 = arith.constant 0 : i32
      %get3A_200 = arith.index_cast %get3A_199 : i32 to index
      %get3A_201 = arith.constant 112 : index
      %get3A_202 = tpu.vector_load %arg6[%get3A_200, %get3A_201] {strides = array<i32>} : memref<2x128xi32, #tpu.memory_space<vmem>>, vector<1x16xi32>,
      %get3A_203 = vector.shape_cast %get3A_202 : vector<1x16xi32> to vector<16xi32>
      %eq3A_204 = arith.constant 0 : i32
      %eq3A_205 = vector.broadcast %eq3A_204 : i32 to vector<16xi32>
      %eq3A_206 = arith.cmpi eq, %get3A_203, %eq3A_205 : vector<16xi32>
      %sub3A_207 = arith.constant 1 : i32
      %sub3A_208 = vector.broadcast %sub3A_207 : i32 to vector<16xi32>
      %sub3A_209 = arith.subi %get3A_203, %sub3A_208 : vector<16xi32>
      %jit3A_210 = arith.constant 1055 : i32
      %broadcast_in_dim3A_211 = vector.broadcast %jit3A_210 : i32 to vector<16xi32>
      %select_n3A_212 = arith.select %eq3A_206, %broadcast_in_dim3A_211, %sub3A_209 : vector<16xi1>, vector<16xi32>
      %swap3A_213 = arith.constant 0 : i32
      %swap3A_214 = arith.index_cast %swap3A_213 : i32 to index
      %swap3A_215 = arith.constant 112 : index
      %swap3A_216 = tpu.vector_load %arg6[%swap3A_214, %swap3A_215] {strides = array<i32>} : memref<2x128xi32, #tpu.memory_space<vmem>>, vector<1x16xi32>,
      %swap3A_217 = vector.shape_cast %swap3A_216 : vector<1x16xi32> to vector<16xi32>
      %swap3A_218 = vector.shape_cast %select_n3A_212 : vector<16xi32> to vector<1x16xi32>
      tpu.vector_store %arg6[%swap3A_214, %swap3A_215], %swap3A_218 {strides = array<i32>} : memref<2x128xi32, #tpu.memory_space<vmem>>, vector<1x16xi32>,
      %dma_start3A_219 = arith.constant 0 : i32
      %dma_start3A_220 = arith.constant 0 : i32
      %dma_start3A_221 = arith.constant 0 : i32
      %dma_start3A_222 = arith.constant 0 : i32
      %dma_start3A_223 = tpu.memref_slice %arg7[%dma_start3A_220, %dma_start3A_221, %dma_start3A_222] : memref<2x128x128xf32, #tpu.memory_space<vmem>> -> memref<1x128x128xf32, #tpu.memory_space<vmem>>
      %dma_start3A_224 = tpu.memref_squeeze %dma_start3A_223 : memref<1x128x128xf32, #tpu.memory_space<vmem>> -> memref<128x128xf32, #tpu.memory_space<vmem>>
      %dma_start3A_225 = arith.constant 0 : i32
      %dma_start3A_226 = tpu.memref_slice %arg6[%dma_start3A_219, %dma_start3A_225] : memref<2x128xi32, #tpu.memory_space<vmem>> -> memref<1x128xi32, #tpu.memory_space<vmem>>
      %dma_start3A_227 = tpu.memref_squeeze %dma_start3A_226 : memref<1x128xi32, #tpu.memory_space<vmem>> -> memref<128xi32, #tpu.memory_space<vmem>>
      %dma_start3A_228 = arith.constant 0 : i32
      %dma_start3A_229 = arith.constant 0 : i32
      %dma_start3A_230 = tpu.memref_slice %arg2[%dma_start3A_228, %dma_start3A_229] : memref<1056x128xf32, #tpu.memory_space<hbm>> -> memref<1056x128xf32, #tpu.memory_space<hbm>>
      tpu.enqueue_indirect_dma source(%dma_start3A_230 : memref<1056x128xf32, #tpu.memory_space<hbm>>) target(%dma_start3A_224 : memref<128x128xf32, #tpu.memory_space<vmem>>) offsets(%dma_start3A_227 : memref<128xi32, #tpu.memory_space<vmem>>) semaphore(%arg11 : memref<!tpu.dma_semaphore, #tpu.memory_space<semaphore_mem>>)
      %dma_start3A_231 = arith.constant 0 : i32
      %dma_start3A_232 = arith.constant 0 : i32
      %dma_start3A_233 = arith.constant 0 : i32
      %dma_start3A_234 = tpu.memref_slice %arg8[%dma_start3A_231, %dma_start3A_232, %dma_start3A_233] : memref<2x128x128xf32, #tpu.memory_space<vmem>> -> memref<1x128x128xf32, #tpu.memory_space<vmem>>
      %dma_start3A_235 = tpu.memref_squeeze %dma_start3A_234 : memref<1x128x128xf32, #tpu.memory_space<vmem>> -> memref<128x128xf32, #tpu.memory_space<vmem>>
      %dma_start3A_236 = arith.constant 0 : i32
      %dma_start3A_237 = tpu.memref_slice %arg4[%add3A_52, %dma_start3A_236] : memref<262144x128xf32, #tpu.memory_space<hbm>> -> memref<128x128xf32, #tpu.memory_space<hbm>>
      %dma_start3A_238 = arith.constant 0 : i32
      %dma_start3A_239 = arith.constant 0 : i32
      %dma_start3A_240 = tpu.memref_slice %arg8[%dma_start3A_231, %dma_start3A_238, %dma_start3A_239] : memref<2x128x128xf32, #tpu.memory_space<vmem>> -> memref<1x128x128xf32, #tpu.memory_space<vmem>>
      %dma_start3A_241 = tpu.memref_squeeze %dma_start3A_240 : memref<1x128x128xf32, #tpu.memory_space<vmem>> -> memref<128x128xf32, #tpu.memory_space<vmem>>
      %dma_start3A_242 = arith.constant 0 : i32
      %dma_start3A_243 = tpu.memref_slice %arg4[%add3A_52, %dma_start3A_242] : memref<262144x128xf32, #tpu.memory_space<hbm>> -> memref<128x128xf32, #tpu.memory_space<hbm>>
      tpu.enqueue_dma source(%dma_start3A_243 : memref<128x128xf32, #tpu.memory_space<hbm>>) target(%dma_start3A_241 : memref<128x128xf32, #tpu.memory_space<vmem>>) target_semaphore(%arg13 : memref<!tpu.dma_semaphore, #tpu.memory_space<semaphore_mem>>)
      %add3A_244 = arith.constant 1 : i32
      %add3A_245 = arith.addi %add3A_49, %add3A_244 : i32
      %lt3A = arith.constant 64 : i32
      %lt3A_246 = arith.cmpi slt, %add3A_245, %lt3A : i32
      %convert_element_type3A_247 = arith.extui %lt3A_246 : i1 to i32
      %cond3A_248 = arith.constant 0 : i32
      %cond3A_249 = arith.cmpi ne, %convert_element_type3A_247, %cond3A_248 : i32
      scf.if %cond3A_249 {
        %add3A_553 = arith.constant 128 : i32
        %add3A_554 = arith.addi %add3A_52, %add3A_553 : i32
        %dma_start3A_555 = arith.constant 1 : i32
        %dma_start3A_556 = arith.constant 0 : i32
        %dma_start3A_557 = tpu.memref_slice %arg6[%dma_start3A_555, %dma_start3A_556] : memref<2x128xi32, #tpu.memory_space<vmem>> -> memref<1x128xi32, #tpu.memory_space<vmem>>
        %dma_start3A_558 = tpu.memref_squeeze %dma_start3A_557 : memref<1x128xi32, #tpu.memory_space<vmem>> -> memref<128xi32, #tpu.memory_space<vmem>>
        %dma_start3A_559 = tpu.memref_slice %arg3[%add3A_554] : memref<262144xi32, #tpu.memory_space<hbm>> -> memref<128xi32, #tpu.memory_space<hbm>>
        %dma_start3A_560 = arith.constant 0 : i32
        %dma_start3A_561 = tpu.memref_slice %arg6[%dma_start3A_555, %dma_start3A_560] : memref<2x128xi32, #tpu.memory_space<vmem>> -> memref<1x128xi32, #tpu.memory_space<vmem>>
        %dma_start3A_562 = tpu.memref_squeeze %dma_start3A_561 : memref<1x128xi32, #tpu.memory_space<vmem>> -> memref<128xi32, #tpu.memory_space<vmem>>
        %dma_start3A_563 = tpu.memref_slice %arg3[%add3A_554] : memref<262144xi32, #tpu.memory_space<hbm>> -> memref<128xi32, #tpu.memory_space<hbm>>
        tpu.enqueue_dma source(%dma_start3A_563 : memref<128xi32, #tpu.memory_space<hbm>>) target(%dma_start3A_562 : memref<128xi32, #tpu.memory_space<vmem>>) target_semaphore(%arg10 : memref<!tpu.dma_semaphore, #tpu.memory_space<semaphore_mem>>)
      } else {
      }
      %dma_wait3A_250 = arith.constant 0 : i32
      %dma_wait3A_251 = arith.constant 0 : i32
      %dma_wait3A_252 = arith.constant 0 : i32
      %dma_wait3A_253 = arith.constant 0 : i32
      %dma_wait3A_254 = tpu.memref_slice %arg7[%dma_wait3A_251, %dma_wait3A_252, %dma_wait3A_253] : memref<2x128x128xf32, #tpu.memory_space<vmem>> -> memref<1x128x128xf32, #tpu.memory_space<vmem>>
      %dma_wait3A_255 = tpu.memref_squeeze %dma_wait3A_254 : memref<1x128x128xf32, #tpu.memory_space<vmem>> -> memref<128x128xf32, #tpu.memory_space<vmem>>
      %dma_wait3A_256 = arith.constant 0 : i32
      %dma_wait3A_257 = tpu.memref_slice %arg6[%dma_wait3A_250, %dma_wait3A_256] : memref<2x128xi32, #tpu.memory_space<vmem>> -> memref<1x128xi32, #tpu.memory_space<vmem>>
      %dma_wait3A_258 = tpu.memref_squeeze %dma_wait3A_257 : memref<1x128xi32, #tpu.memory_space<vmem>> -> memref<128xi32, #tpu.memory_space<vmem>>
      %dma_wait3A_259 = arith.constant 0 : i32
      %dma_wait3A_260 = arith.constant 0 : i32
      %dma_wait3A_261 = tpu.memref_slice %arg2[%dma_wait3A_259, %dma_wait3A_260] : memref<1056x128xf32, #tpu.memory_space<hbm>> -> memref<1056x128xf32, #tpu.memory_space<hbm>>
      tpu.wait_indirect_dma semaphore(%arg11 : memref<!tpu.dma_semaphore, #tpu.memory_space<semaphore_mem>>) src(%dma_wait3A_261 : memref<1056x128xf32, #tpu.memory_space<hbm>>) dst(%dma_wait3A_255 : memref<128x128xf32, #tpu.memory_space<vmem>>)
      %dma_wait3A_262 = arith.constant 0 : i32
      %dma_wait3A_263 = arith.constant 0 : i32
      %dma_wait3A_264 = arith.constant 0 : i32
      %dma_wait3A_265 = tpu.memref_slice %arg8[%dma_wait3A_262, %dma_wait3A_263, %dma_wait3A_264] : memref<2x128x128xf32, #tpu.memory_space<vmem>> -> memref<1x128x128xf32, #tpu.memory_space<vmem>>
      %dma_wait3A_266 = tpu.memref_squeeze %dma_wait3A_265 : memref<1x128x128xf32, #tpu.memory_space<vmem>> -> memref<128x128xf32, #tpu.memory_space<vmem>>
      %dma_wait3A_267 = arith.constant 0 : i32
      %dma_wait3A_268 = tpu.memref_slice %arg4[%add3A_52, %dma_wait3A_267] : memref<262144x128xf32, #tpu.memory_space<hbm>> -> memref<128x128xf32, #tpu.memory_space<hbm>>
      %dma_wait3A_269 = arith.constant 0 : i32
      %dma_wait3A_270 = arith.constant 0 : i32
      %dma_wait3A_271 = tpu.memref_slice %arg8[%dma_wait3A_262, %dma_wait3A_269, %dma_wait3A_270] : memref<2x128x128xf32, #tpu.memory_space<vmem>> -> memref<1x128x128xf32, #tpu.memory_space<vmem>>
      %dma_wait3A_272 = tpu.memref_squeeze %dma_wait3A_271 : memref<1x128x128xf32, #tpu.memory_space<vmem>> -> memref<128x128xf32, #tpu.memory_space<vmem>>
      %dma_wait3A_273 = arith.constant 0 : i32
      %dma_wait3A_274 = tpu.memref_slice %arg4[%add3A_52, %dma_wait3A_273] : memref<262144x128xf32, #tpu.memory_space<hbm>> -> memref<128x128xf32, #tpu.memory_space<hbm>>
      tpu.wait_dma2 semaphore(%arg13 : memref<!tpu.dma_semaphore, #tpu.memory_space<semaphore_mem>>) src(%dma_wait3A_274 : memref<128x128xf32, #tpu.memory_space<hbm>>) dst(%dma_wait3A_272 : memref<128x128xf32, #tpu.memory_space<vmem>>)
      %scan3A_275 = arith.constant 0 : i32
      %scan3A_276 = arith.constant 0 : i32
      %scan3A_277 = arith.constant 128 : i32
      %scan3A_278 = arith.addi %scan3A_276, %scan3A_277 : i32
      %scan3A_279 = arith.constant 2 : i32
      scf.for %scan3A_553 = %scan3A_276 to %scan3A_278 step %scan3A_279  : i32 {
        %get3A_554 = arith.constant 0 : i32
        %get3A_555 = arith.index_cast %get3A_554 : i32 to index
        %get3A_556 = arith.index_cast %scan3A_553 : i32 to index
        %get3A_557 = arith.constant 0 : index
        %get3A_558 = tpu.vector_load %arg8[%get3A_555, %get3A_556, %get3A_557] {strides = array<i32>} : memref<2x128x128xf32, #tpu.memory_space<vmem>>, vector<1x1x16xf32>,
        %get3A_559 = vector.shape_cast %get3A_558 : vector<1x1x16xf32> to vector<16xf32>
        %swap3A_560 = arith.constant 0 : i32
        %swap3A_561 = arith.index_cast %swap3A_560 : i32 to index
        %swap3A_562 = arith.index_cast %scan3A_553 : i32 to index
        %swap3A_563 = arith.constant 0 : index
        %swap3A_564 = tpu.vector_load %arg7[%swap3A_561, %swap3A_562, %swap3A_563] {strides = array<i32>} : memref<2x128x128xf32, #tpu.memory_space<vmem>>, vector<1x1x16xf32>,
        %swap3A_565 = vector.shape_cast %swap3A_564 : vector<1x1x16xf32> to vector<16xf32>
        %swap3A_566 = vector.shape_cast %get3A_559 : vector<16xf32> to vector<1x1x16xf32>
        tpu.vector_store %arg7[%swap3A_561, %swap3A_562, %swap3A_563], %swap3A_566 {add = true, strides = array<i32>} : memref<2x128x128xf32, #tpu.memory_space<vmem>>, vector<1x1x16xf32>,
        %get3A_567 = arith.constant 0 : i32
        %get3A_568 = arith.index_cast %get3A_567 : i32 to index
        %get3A_569 = arith.index_cast %scan3A_553 : i32 to index
        %get3A_570 = arith.constant 16 : index
        %get3A_571 = tpu.vector_load %arg8[%get3A_568, %get3A_569, %get3A_570] {strides = array<i32>} : memref<2x128x128xf32, #tpu.memory_space<vmem>>, vector<1x1x16xf32>,
        %get3A_572 = vector.shape_cast %get3A_571 : vector<1x1x16xf32> to vector<16xf32>
        %swap3A_573 = arith.constant 0 : i32
        %swap3A_574 = arith.index_cast %swap3A_573 : i32 to index
        %swap3A_575 = arith.index_cast %scan3A_553 : i32 to index
        %swap3A_576 = arith.constant 16 : index
        %swap3A_577 = tpu.vector_load %arg7[%swap3A_574, %swap3A_575, %swap3A_576] {strides = array<i32>} : memref<2x128x128xf32, #tpu.memory_space<vmem>>, vector<1x1x16xf32>,
        %swap3A_578 = vector.shape_cast %swap3A_577 : vector<1x1x16xf32> to vector<16xf32>
        %swap3A_579 = vector.shape_cast %get3A_572 : vector<16xf32> to vector<1x1x16xf32>
        tpu.vector_store %arg7[%swap3A_574, %swap3A_575, %swap3A_576], %swap3A_579 {add = true, strides = array<i32>} : memref<2x128x128xf32, #tpu.memory_space<vmem>>, vector<1x1x16xf32>,
        %get3A_580 = arith.constant 0 : i32
        %get3A_581 = arith.index_cast %get3A_580 : i32 to index
        %get3A_582 = arith.index_cast %scan3A_553 : i32 to index
        %get3A_583 = arith.constant 32 : index
        %get3A_584 = tpu.vector_load %arg8[%get3A_581, %get3A_582, %get3A_583] {strides = array<i32>} : memref<2x128x128xf32, #tpu.memory_space<vmem>>, vector<1x1x16xf32>,
        %get3A_585 = vector.shape_cast %get3A_584 : vector<1x1x16xf32> to vector<16xf32>
        %swap3A_586 = arith.constant 0 : i32
        %swap3A_587 = arith.index_cast %swap3A_586 : i32 to index
        %swap3A_588 = arith.index_cast %scan3A_553 : i32 to index
        %swap3A_589 = arith.constant 32 : index
        %swap3A_590 = tpu.vector_load %arg7[%swap3A_587, %swap3A_588, %swap3A_589] {strides = array<i32>} : memref<2x128x128xf32, #tpu.memory_space<vmem>>, vector<1x1x16xf32>,
        %swap3A_591 = vector.shape_cast %swap3A_590 : vector<1x1x16xf32> to vector<16xf32>
        %swap3A_592 = vector.shape_cast %get3A_585 : vector<16xf32> to vector<1x1x16xf32>
        tpu.vector_store %arg7[%swap3A_587, %swap3A_588, %swap3A_589], %swap3A_592 {add = true, strides = array<i32>} : memref<2x128x128xf32, #tpu.memory_space<vmem>>, vector<1x1x16xf32>,
        %get3A_593 = arith.constant 0 : i32
        %get3A_594 = arith.index_cast %get3A_593 : i32 to index
        %get3A_595 = arith.index_cast %scan3A_553 : i32 to index
        %get3A_596 = arith.constant 48 : index
        %get3A_597 = tpu.vector_load %arg8[%get3A_594, %get3A_595, %get3A_596] {strides = array<i32>} : memref<2x128x128xf32, #tpu.memory_space<vmem>>, vector<1x1x16xf32>,
        %get3A_598 = vector.shape_cast %get3A_597 : vector<1x1x16xf32> to vector<16xf32>
        %swap3A_599 = arith.constant 0 : i32
        %swap3A_600 = arith.index_cast %swap3A_599 : i32 to index
        %swap3A_601 = arith.index_cast %scan3A_553 : i32 to index
        %swap3A_602 = arith.constant 48 : index
        %swap3A_603 = tpu.vector_load %arg7[%swap3A_600, %swap3A_601, %swap3A_602] {strides = array<i32>} : memref<2x128x128xf32, #tpu.memory_space<vmem>>, vector<1x1x16xf32>,
        %swap3A_604 = vector.shape_cast %swap3A_603 : vector<1x1x16xf32> to vector<16xf32>
        %swap3A_605 = vector.shape_cast %get3A_598 : vector<16xf32> to vector<1x1x16xf32>
        tpu.vector_store %arg7[%swap3A_600, %swap3A_601, %swap3A_602], %swap3A_605 {add = true, strides = array<i32>} : memref<2x128x128xf32, #tpu.memory_space<vmem>>, vector<1x1x16xf32>,
        %get3A_606 = arith.constant 0 : i32
        %get3A_607 = arith.index_cast %get3A_606 : i32 to index
        %get3A_608 = arith.index_cast %scan3A_553 : i32 to index
        %get3A_609 = arith.constant 64 : index
        %get3A_610 = tpu.vector_load %arg8[%get3A_607, %get3A_608, %get3A_609] {strides = array<i32>} : memref<2x128x128xf32, #tpu.memory_space<vmem>>, vector<1x1x16xf32>,
        %get3A_611 = vector.shape_cast %get3A_610 : vector<1x1x16xf32> to vector<16xf32>
        %swap3A_612 = arith.constant 0 : i32
        %swap3A_613 = arith.index_cast %swap3A_612 : i32 to index
        %swap3A_614 = arith.index_cast %scan3A_553 : i32 to index
        %swap3A_615 = arith.constant 64 : index
        %swap3A_616 = tpu.vector_load %arg7[%swap3A_613, %swap3A_614, %swap3A_615] {strides = array<i32>} : memref<2x128x128xf32, #tpu.memory_space<vmem>>, vector<1x1x16xf32>,
        %swap3A_617 = vector.shape_cast %swap3A_616 : vector<1x1x16xf32> to vector<16xf32>
        %swap3A_618 = vector.shape_cast %get3A_611 : vector<16xf32> to vector<1x1x16xf32>
        tpu.vector_store %arg7[%swap3A_613, %swap3A_614, %swap3A_615], %swap3A_618 {add = true, strides = array<i32>} : memref<2x128x128xf32, #tpu.memory_space<vmem>>, vector<1x1x16xf32>,
        %get3A_619 = arith.constant 0 : i32
        %get3A_620 = arith.index_cast %get3A_619 : i32 to index
        %get3A_621 = arith.index_cast %scan3A_553 : i32 to index
        %get3A_622 = arith.constant 80 : index
        %get3A_623 = tpu.vector_load %arg8[%get3A_620, %get3A_621, %get3A_622] {strides = array<i32>} : memref<2x128x128xf32, #tpu.memory_space<vmem>>, vector<1x1x16xf32>,
        %get3A_624 = vector.shape_cast %get3A_623 : vector<1x1x16xf32> to vector<16xf32>
        %swap3A_625 = arith.constant 0 : i32
        %swap3A_626 = arith.index_cast %swap3A_625 : i32 to index
        %swap3A_627 = arith.index_cast %scan3A_553 : i32 to index
        %swap3A_628 = arith.constant 80 : index
        %swap3A_629 = tpu.vector_load %arg7[%swap3A_626, %swap3A_627, %swap3A_628] {strides = array<i32>} : memref<2x128x128xf32, #tpu.memory_space<vmem>>, vector<1x1x16xf32>,
        %swap3A_630 = vector.shape_cast %swap3A_629 : vector<1x1x16xf32> to vector<16xf32>
        %swap3A_631 = vector.shape_cast %get3A_624 : vector<16xf32> to vector<1x1x16xf32>
        tpu.vector_store %arg7[%swap3A_626, %swap3A_627, %swap3A_628], %swap3A_631 {add = true, strides = array<i32>} : memref<2x128x128xf32, #tpu.memory_space<vmem>>, vector<1x1x16xf32>,
        %get3A_632 = arith.constant 0 : i32
        %get3A_633 = arith.index_cast %get3A_632 : i32 to index
        %get3A_634 = arith.index_cast %scan3A_553 : i32 to index
        %get3A_635 = arith.constant 96 : index
        %get3A_636 = tpu.vector_load %arg8[%get3A_633, %get3A_634, %get3A_635] {strides = array<i32>} : memref<2x128x128xf32, #tpu.memory_space<vmem>>, vector<1x1x16xf32>,
        %get3A_637 = vector.shape_cast %get3A_636 : vector<1x1x16xf32> to vector<16xf32>
        %swap3A_638 = arith.constant 0 : i32
        %swap3A_639 = arith.index_cast %swap3A_638 : i32 to index
        %swap3A_640 = arith.index_cast %scan3A_553 : i32 to index
        %swap3A_641 = arith.constant 96 : index
        %swap3A_642 = tpu.vector_load %arg7[%swap3A_639, %swap3A_640, %swap3A_641] {strides = array<i32>} : memref<2x128x128xf32, #tpu.memory_space<vmem>>, vector<1x1x16xf32>,
        %swap3A_643 = vector.shape_cast %swap3A_642 : vector<1x1x16xf32> to vector<16xf32>
        %swap3A_644 = vector.shape_cast %get3A_637 : vector<16xf32> to vector<1x1x16xf32>
        tpu.vector_store %arg7[%swap3A_639, %swap3A_640, %swap3A_641], %swap3A_644 {add = true, strides = array<i32>} : memref<2x128x128xf32, #tpu.memory_space<vmem>>, vector<1x1x16xf32>,
        %get3A_645 = arith.constant 0 : i32
        %get3A_646 = arith.index_cast %get3A_645 : i32 to index
        %get3A_647 = arith.index_cast %scan3A_553 : i32 to index
        %get3A_648 = arith.constant 112 : index
        %get3A_649 = tpu.vector_load %arg8[%get3A_646, %get3A_647, %get3A_648] {strides = array<i32>} : memref<2x128x128xf32, #tpu.memory_space<vmem>>, vector<1x1x16xf32>,
        %get3A_650 = vector.shape_cast %get3A_649 : vector<1x1x16xf32> to vector<16xf32>
        %swap3A_651 = arith.constant 0 : i32
        %swap3A_652 = arith.index_cast %swap3A_651 : i32 to index
        %swap3A_653 = arith.index_cast %scan3A_553 : i32 to index
        %swap3A_654 = arith.constant 112 : index
        %swap3A_655 = tpu.vector_load %arg7[%swap3A_652, %swap3A_653, %swap3A_654] {strides = array<i32>} : memref<2x128x128xf32, #tpu.memory_space<vmem>>, vector<1x1x16xf32>,
        %swap3A_656 = vector.shape_cast %swap3A_655 : vector<1x1x16xf32> to vector<16xf32>
        %swap3A_657 = vector.shape_cast %get3A_650 : vector<16xf32> to vector<1x1x16xf32>
        tpu.vector_store %arg7[%swap3A_652, %swap3A_653, %swap3A_654], %swap3A_657 {add = true, strides = array<i32>} : memref<2x128x128xf32, #tpu.memory_space<vmem>>, vector<1x1x16xf32>,
        %scan3A_658 = arith.constant 1 : i32
        %scan3A_659 = arith.addi %scan3A_553, %scan3A_658 : i32
        %get3A_660 = arith.constant 0 : i32
        %get3A_661 = arith.index_cast %get3A_660 : i32 to index
        %get3A_662 = arith.index_cast %scan3A_659 : i32 to index
        %get3A_663 = arith.constant 0 : index
        %get3A_664 = tpu.vector_load %arg8[%get3A_661, %get3A_662, %get3A_663] {strides = array<i32>} : memref<2x128x128xf32, #tpu.memory_space<vmem>>, vector<1x1x16xf32>,
        %get3A_665 = vector.shape_cast %get3A_664 : vector<1x1x16xf32> to vector<16xf32>
        %swap3A_666 = arith.constant 0 : i32
        %swap3A_667 = arith.index_cast %swap3A_666 : i32 to index
        %swap3A_668 = arith.index_cast %scan3A_659 : i32 to index
        %swap3A_669 = arith.constant 0 : index
        %swap3A_670 = tpu.vector_load %arg7[%swap3A_667, %swap3A_668, %swap3A_669] {strides = array<i32>} : memref<2x128x128xf32, #tpu.memory_space<vmem>>, vector<1x1x16xf32>,
        %swap3A_671 = vector.shape_cast %swap3A_670 : vector<1x1x16xf32> to vector<16xf32>
        %swap3A_672 = vector.shape_cast %get3A_665 : vector<16xf32> to vector<1x1x16xf32>
        tpu.vector_store %arg7[%swap3A_667, %swap3A_668, %swap3A_669], %swap3A_672 {add = true, strides = array<i32>} : memref<2x128x128xf32, #tpu.memory_space<vmem>>, vector<1x1x16xf32>,
        %get3A_673 = arith.constant 0 : i32
        %get3A_674 = arith.index_cast %get3A_673 : i32 to index
        %get3A_675 = arith.index_cast %scan3A_659 : i32 to index
        %get3A_676 = arith.constant 16 : index
        %get3A_677 = tpu.vector_load %arg8[%get3A_674, %get3A_675, %get3A_676] {strides = array<i32>} : memref<2x128x128xf32, #tpu.memory_space<vmem>>, vector<1x1x16xf32>,
        %get3A_678 = vector.shape_cast %get3A_677 : vector<1x1x16xf32> to vector<16xf32>
        %swap3A_679 = arith.constant 0 : i32
        %swap3A_680 = arith.index_cast %swap3A_679 : i32 to index
        %swap3A_681 = arith.index_cast %scan3A_659 : i32 to index
        %swap3A_682 = arith.constant 16 : index
        %swap3A_683 = tpu.vector_load %arg7[%swap3A_680, %swap3A_681, %swap3A_682] {strides = array<i32>} : memref<2x128x128xf32, #tpu.memory_space<vmem>>, vector<1x1x16xf32>,
        %swap3A_684 = vector.shape_cast %swap3A_683 : vector<1x1x16xf32> to vector<16xf32>
        %swap3A_685 = vector.shape_cast %get3A_678 : vector<16xf32> to vector<1x1x16xf32>
        tpu.vector_store %arg7[%swap3A_680, %swap3A_681, %swap3A_682], %swap3A_685 {add = true, strides = array<i32>} : memref<2x128x128xf32, #tpu.memory_space<vmem>>, vector<1x1x16xf32>,
        %get3A_686 = arith.constant 0 : i32
        %get3A_687 = arith.index_cast %get3A_686 : i32 to index
        %get3A_688 = arith.index_cast %scan3A_659 : i32 to index
        %get3A_689 = arith.constant 32 : index
        %get3A_690 = tpu.vector_load %arg8[%get3A_687, %get3A_688, %get3A_689] {strides = array<i32>} : memref<2x128x128xf32, #tpu.memory_space<vmem>>, vector<1x1x16xf32>,
        %get3A_691 = vector.shape_cast %get3A_690 : vector<1x1x16xf32> to vector<16xf32>
        %swap3A_692 = arith.constant 0 : i32
        %swap3A_693 = arith.index_cast %swap3A_692 : i32 to index
        %swap3A_694 = arith.index_cast %scan3A_659 : i32 to index
        %swap3A_695 = arith.constant 32 : index
        %swap3A_696 = tpu.vector_load %arg7[%swap3A_693, %swap3A_694, %swap3A_695] {strides = array<i32>} : memref<2x128x128xf32, #tpu.memory_space<vmem>>, vector<1x1x16xf32>,
        %swap3A_697 = vector.shape_cast %swap3A_696 : vector<1x1x16xf32> to vector<16xf32>
        %swap3A_698 = vector.shape_cast %get3A_691 : vector<16xf32> to vector<1x1x16xf32>
        tpu.vector_store %arg7[%swap3A_693, %swap3A_694, %swap3A_695], %swap3A_698 {add = true, strides = array<i32>} : memref<2x128x128xf32, #tpu.memory_space<vmem>>, vector<1x1x16xf32>,
        %get3A_699 = arith.constant 0 : i32
        %get3A_700 = arith.index_cast %get3A_699 : i32 to index
        %get3A_701 = arith.index_cast %scan3A_659 : i32 to index
        %get3A_702 = arith.constant 48 : index
        %get3A_703 = tpu.vector_load %arg8[%get3A_700, %get3A_701, %get3A_702] {strides = array<i32>} : memref<2x128x128xf32, #tpu.memory_space<vmem>>, vector<1x1x16xf32>,
        %get3A_704 = vector.shape_cast %get3A_703 : vector<1x1x16xf32> to vector<16xf32>
        %swap3A_705 = arith.constant 0 : i32
        %swap3A_706 = arith.index_cast %swap3A_705 : i32 to index
        %swap3A_707 = arith.index_cast %scan3A_659 : i32 to index
        %swap3A_708 = arith.constant 48 : index
        %swap3A_709 = tpu.vector_load %arg7[%swap3A_706, %swap3A_707, %swap3A_708] {strides = array<i32>} : memref<2x128x128xf32, #tpu.memory_space<vmem>>, vector<1x1x16xf32>,
        %swap3A_710 = vector.shape_cast %swap3A_709 : vector<1x1x16xf32> to vector<16xf32>
        %swap3A_711 = vector.shape_cast %get3A_704 : vector<16xf32> to vector<1x1x16xf32>
        tpu.vector_store %arg7[%swap3A_706, %swap3A_707, %swap3A_708], %swap3A_711 {add = true, strides = array<i32>} : memref<2x128x128xf32, #tpu.memory_space<vmem>>, vector<1x1x16xf32>,
        %get3A_712 = arith.constant 0 : i32
        %get3A_713 = arith.index_cast %get3A_712 : i32 to index
        %get3A_714 = arith.index_cast %scan3A_659 : i32 to index
        %get3A_715 = arith.constant 64 : index
        %get3A_716 = tpu.vector_load %arg8[%get3A_713, %get3A_714, %get3A_715] {strides = array<i32>} : memref<2x128x128xf32, #tpu.memory_space<vmem>>, vector<1x1x16xf32>,
        %get3A_717 = vector.shape_cast %get3A_716 : vector<1x1x16xf32> to vector<16xf32>
        %swap3A_718 = arith.constant 0 : i32
        %swap3A_719 = arith.index_cast %swap3A_718 : i32 to index
        %swap3A_720 = arith.index_cast %scan3A_659 : i32 to index
        %swap3A_721 = arith.constant 64 : index
        %swap3A_722 = tpu.vector_load %arg7[%swap3A_719, %swap3A_720, %swap3A_721] {strides = array<i32>} : memref<2x128x128xf32, #tpu.memory_space<vmem>>, vector<1x1x16xf32>,
        %swap3A_723 = vector.shape_cast %swap3A_722 : vector<1x1x16xf32> to vector<16xf32>
        %swap3A_724 = vector.shape_cast %get3A_717 : vector<16xf32> to vector<1x1x16xf32>
        tpu.vector_store %arg7[%swap3A_719, %swap3A_720, %swap3A_721], %swap3A_724 {add = true, strides = array<i32>} : memref<2x128x128xf32, #tpu.memory_space<vmem>>, vector<1x1x16xf32>,
        %get3A_725 = arith.constant 0 : i32
        %get3A_726 = arith.index_cast %get3A_725 : i32 to index
        %get3A_727 = arith.index_cast %scan3A_659 : i32 to index
        %get3A_728 = arith.constant 80 : index
        %get3A_729 = tpu.vector_load %arg8[%get3A_726, %get3A_727, %get3A_728] {strides = array<i32>} : memref<2x128x128xf32, #tpu.memory_space<vmem>>, vector<1x1x16xf32>,
        %get3A_730 = vector.shape_cast %get3A_729 : vector<1x1x16xf32> to vector<16xf32>
        %swap3A_731 = arith.constant 0 : i32
        %swap3A_732 = arith.index_cast %swap3A_731 : i32 to index
        %swap3A_733 = arith.index_cast %scan3A_659 : i32 to index
        %swap3A_734 = arith.constant 80 : index
        %swap3A_735 = tpu.vector_load %arg7[%swap3A_732, %swap3A_733, %swap3A_734] {strides = array<i32>} : memref<2x128x128xf32, #tpu.memory_space<vmem>>, vector<1x1x16xf32>,
        %swap3A_736 = vector.shape_cast %swap3A_735 : vector<1x1x16xf32> to vector<16xf32>
        %swap3A_737 = vector.shape_cast %get3A_730 : vector<16xf32> to vector<1x1x16xf32>
        tpu.vector_store %arg7[%swap3A_732, %swap3A_733, %swap3A_734], %swap3A_737 {add = true, strides = array<i32>} : memref<2x128x128xf32, #tpu.memory_space<vmem>>, vector<1x1x16xf32>,
        %get3A_738 = arith.constant 0 : i32
        %get3A_739 = arith.index_cast %get3A_738 : i32 to index
        %get3A_740 = arith.index_cast %scan3A_659 : i32 to index
        %get3A_741 = arith.constant 96 : index
        %get3A_742 = tpu.vector_load %arg8[%get3A_739, %get3A_740, %get3A_741] {strides = array<i32>} : memref<2x128x128xf32, #tpu.memory_space<vmem>>, vector<1x1x16xf32>,
        %get3A_743 = vector.shape_cast %get3A_742 : vector<1x1x16xf32> to vector<16xf32>
        %swap3A_744 = arith.constant 0 : i32
        %swap3A_745 = arith.index_cast %swap3A_744 : i32 to index
        %swap3A_746 = arith.index_cast %scan3A_659 : i32 to index
        %swap3A_747 = arith.constant 96 : index
        %swap3A_748 = tpu.vector_load %arg7[%swap3A_745, %swap3A_746, %swap3A_747] {strides = array<i32>} : memref<2x128x128xf32, #tpu.memory_space<vmem>>, vector<1x1x16xf32>,
        %swap3A_749 = vector.shape_cast %swap3A_748 : vector<1x1x16xf32> to vector<16xf32>
        %swap3A_750 = vector.shape_cast %get3A_743 : vector<16xf32> to vector<1x1x16xf32>
        tpu.vector_store %arg7[%swap3A_745, %swap3A_746, %swap3A_747], %swap3A_750 {add = true, strides = array<i32>} : memref<2x128x128xf32, #tpu.memory_space<vmem>>, vector<1x1x16xf32>,
        %get3A_751 = arith.constant 0 : i32
        %get3A_752 = arith.index_cast %get3A_751 : i32 to index
        %get3A_753 = arith.index_cast %scan3A_659 : i32 to index
        %get3A_754 = arith.constant 112 : index
        %get3A_755 = tpu.vector_load %arg8[%get3A_752, %get3A_753, %get3A_754] {strides = array<i32>} : memref<2x128x128xf32, #tpu.memory_space<vmem>>, vector<1x1x16xf32>,
        %get3A_756 = vector.shape_cast %get3A_755 : vector<1x1x16xf32> to vector<16xf32>
        %swap3A_757 = arith.constant 0 : i32
        %swap3A_758 = arith.index_cast %swap3A_757 : i32 to index
        %swap3A_759 = arith.index_cast %scan3A_659 : i32 to index
        %swap3A_760 = arith.constant 112 : index
        %swap3A_761 = tpu.vector_load %arg7[%swap3A_758, %swap3A_759, %swap3A_760] {strides = array<i32>} : memref<2x128x128xf32, #tpu.memory_space<vmem>>, vector<1x1x16xf32>,
        %swap3A_762 = vector.shape_cast %swap3A_761 : vector<1x1x16xf32> to vector<16xf32>
        %swap3A_763 = vector.shape_cast %get3A_756 : vector<16xf32> to vector<1x1x16xf32>
        tpu.vector_store %arg7[%swap3A_758, %swap3A_759, %swap3A_760], %swap3A_763 {add = true, strides = array<i32>} : memref<2x128x128xf32, #tpu.memory_space<vmem>>, vector<1x1x16xf32>,
      }
      %scan3A_280 = arith.constant 128 : i32
      %dma_start3A_281 = arith.constant 0 : i32
      %dma_start3A_282 = arith.constant 0 : i32
      %dma_start3A_283 = arith.constant 0 : i32
      %dma_start3A_284 = tpu.memref_slice %arg7[%dma_start3A_281, %dma_start3A_282, %dma_start3A_283] : memref<2x128x128xf32, #tpu.memory_space<vmem>> -> memref<1x128x128xf32, #tpu.memory_space<vmem>>
      %dma_start3A_285 = tpu.memref_squeeze %dma_start3A_284 : memref<1x128x128xf32, #tpu.memory_space<vmem>> -> memref<128x128xf32, #tpu.memory_space<vmem>>
      %dma_start3A_286 = arith.constant 0 : i32
      %dma_start3A_287 = tpu.memref_slice %arg5[%add3A_52, %dma_start3A_286] : memref<262144x128xf32, #tpu.memory_space<hbm>> -> memref<128x128xf32, #tpu.memory_space<hbm>>
      %dma_start3A_288 = arith.constant 0 : i32
      %dma_start3A_289 = tpu.memref_slice %arg5[%add3A_52, %dma_start3A_288] : memref<262144x128xf32, #tpu.memory_space<hbm>> -> memref<128x128xf32, #tpu.memory_space<hbm>>
      %dma_start3A_290 = arith.constant 0 : i32
      %dma_start3A_291 = arith.constant 0 : i32
      %dma_start3A_292 = tpu.memref_slice %arg7[%dma_start3A_281, %dma_start3A_290, %dma_start3A_291] : memref<2x128x128xf32, #tpu.memory_space<vmem>> -> memref<1x128x128xf32, #tpu.memory_space<vmem>>
      %dma_start3A_293 = tpu.memref_squeeze %dma_start3A_292 : memref<1x128x128xf32, #tpu.memory_space<vmem>> -> memref<128x128xf32, #tpu.memory_space<vmem>>
      tpu.enqueue_dma source(%dma_start3A_293 : memref<128x128xf32, #tpu.memory_space<vmem>>) target(%dma_start3A_289 : memref<128x128xf32, #tpu.memory_space<hbm>>) target_semaphore(%arg15 : memref<!tpu.dma_semaphore, #tpu.memory_space<semaphore_mem>>)
      %mul3A_294 = arith.constant 2 : i32
      %mul3A_295 = arith.muli %scan3A_45, %mul3A_294 : i32
      %add3A_296 = arith.constant 1 : i32
      %add3A_297 = arith.addi %mul3A_295, %add3A_296 : i32
      %mul3A_298 = arith.constant 128 : i32
      %mul3A_299 = arith.muli %add3A_297, %mul3A_298 : i32
      %add3A_300 = arith.addi %mul3A_2, %mul3A_299 : i32
      %gt3A_301 = arith.constant 0 : i32
      %gt3A_302 = arith.cmpi sgt, %scan3A_45, %gt3A_301 : i32
      %convert_element_type3A_303 = arith.extui %gt3A_302 : i1 to i32
      %cond3A_304 = arith.constant 0 : i32
      %cond3A_305 = arith.cmpi ne, %convert_element_type3A_303, %cond3A_304 : i32
      scf.if %cond3A_305 {
        %dma_wait3A_553 = arith.constant 1 : i32
        %dma_wait3A_554 = arith.constant 0 : i32
        %dma_wait3A_555 = arith.constant 0 : i32
        %dma_wait3A_556 = tpu.memref_slice %arg7[%dma_wait3A_553, %dma_wait3A_554, %dma_wait3A_555] : memref<2x128x128xf32, #tpu.memory_space<vmem>> -> memref<1x128x128xf32, #tpu.memory_space<vmem>>
        %dma_wait3A_557 = tpu.memref_squeeze %dma_wait3A_556 : memref<1x128x128xf32, #tpu.memory_space<vmem>> -> memref<128x128xf32, #tpu.memory_space<vmem>>
        %dma_wait3A_558 = arith.constant 0 : i32
        %dma_wait3A_559 = arith.constant 0 : i32
        %dma_wait3A_560 = tpu.memref_slice %arg5[%dma_wait3A_558, %dma_wait3A_559] : memref<262144x128xf32, #tpu.memory_space<hbm>> -> memref<128x128xf32, #tpu.memory_space<hbm>>
        %dma_wait3A_561 = arith.constant 0 : i32
        %dma_wait3A_562 = arith.constant 0 : i32
        %dma_wait3A_563 = tpu.memref_slice %arg5[%dma_wait3A_561, %dma_wait3A_562] : memref<262144x128xf32, #tpu.memory_space<hbm>> -> memref<128x128xf32, #tpu.memory_space<hbm>>
        %dma_wait3A_564 = arith.constant 0 : i32
        %dma_wait3A_565 = arith.constant 0 : i32
        %dma_wait3A_566 = tpu.memref_slice %arg7[%dma_wait3A_553, %dma_wait3A_564, %dma_wait3A_565] : memref<2x128x128xf32, #tpu.memory_space<vmem>> -> memref<1x128x128xf32, #tpu.memory_space<vmem>>
        %dma_wait3A_567 = tpu.memref_squeeze %dma_wait3A_566 : memref<1x128x128xf32, #tpu.memory_space<vmem>> -> memref<128x128xf32, #tpu.memory_space<vmem>>
        tpu.wait_dma2 semaphore(%arg16 : memref<!tpu.dma_semaphore, #tpu.memory_space<semaphore_mem>>) src(%dma_wait3A_567 : memref<128x128xf32, #tpu.memory_space<vmem>>) dst(%dma_wait3A_563 : memref<128x128xf32, #tpu.memory_space<hbm>>)
      } else {
      }
      %dma_wait3A_306 = arith.constant 1 : i32
      %dma_wait3A_307 = arith.constant 0 : i32
      %dma_wait3A_308 = tpu.memref_slice %arg6[%dma_wait3A_306, %dma_wait3A_307] : memref<2x128xi32, #tpu.memory_space<vmem>> -> memref<1x128xi32, #tpu.memory_space<vmem>>
      %dma_wait3A_309 = tpu.memref_squeeze %dma_wait3A_308 : memref<1x128xi32, #tpu.memory_space<vmem>> -> memref<128xi32, #tpu.memory_space<vmem>>
      %dma_wait3A_310 = arith.constant 0 : i32
      %dma_wait3A_311 = tpu.memref_slice %arg3[%dma_wait3A_310] : memref<262144xi32, #tpu.memory_space<hbm>> -> memref<128xi32, #tpu.memory_space<hbm>>
      %dma_wait3A_312 = arith.constant 0 : i32
      %dma_wait3A_313 = tpu.memref_slice %arg6[%dma_wait3A_306, %dma_wait3A_312] : memref<2x128xi32, #tpu.memory_space<vmem>> -> memref<1x128xi32, #tpu.memory_space<vmem>>
      %dma_wait3A_314 = tpu.memref_squeeze %dma_wait3A_313 : memref<1x128xi32, #tpu.memory_space<vmem>> -> memref<128xi32, #tpu.memory_space<vmem>>
      %dma_wait3A_315 = arith.constant 0 : i32
      %dma_wait3A_316 = tpu.memref_slice %arg3[%dma_wait3A_315] : memref<262144xi32, #tpu.memory_space<hbm>> -> memref<128xi32, #tpu.memory_space<hbm>>
      tpu.wait_dma2 semaphore(%arg10 : memref<!tpu.dma_semaphore, #tpu.memory_space<semaphore_mem>>) src(%dma_wait3A_316 : memref<128xi32, #tpu.memory_space<hbm>>) dst(%dma_wait3A_314 : memref<128xi32, #tpu.memory_space<vmem>>)
      %get3A_317 = arith.constant 1 : i32
      %get3A_318 = arith.index_cast %get3A_317 : i32 to index
      %get3A_319 = arith.constant 0 : index
      %get3A_320 = tpu.vector_load %arg6[%get3A_318, %get3A_319] {strides = array<i32>} : memref<2x128xi32, #tpu.memory_space<vmem>>, vector<1x16xi32>,
      %get3A_321 = vector.shape_cast %get3A_320 : vector<1x16xi32> to vector<16xi32>
      %eq3A_322 = arith.constant 0 : i32
      %eq3A_323 = vector.broadcast %eq3A_322 : i32 to vector<16xi32>
      %eq3A_324 = arith.cmpi eq, %get3A_321, %eq3A_323 : vector<16xi32>
      %sub3A_325 = arith.constant 1 : i32
      %sub3A_326 = vector.broadcast %sub3A_325 : i32 to vector<16xi32>
      %sub3A_327 = arith.subi %get3A_321, %sub3A_326 : vector<16xi32>
      %jit3A_328 = arith.constant 1055 : i32
      %broadcast_in_dim3A_329 = vector.broadcast %jit3A_328 : i32 to vector<16xi32>
      %select_n3A_330 = arith.select %eq3A_324, %broadcast_in_dim3A_329, %sub3A_327 : vector<16xi1>, vector<16xi32>
      %swap3A_331 = arith.constant 1 : i32
      %swap3A_332 = arith.index_cast %swap3A_331 : i32 to index
      %swap3A_333 = arith.constant 0 : index
      %swap3A_334 = tpu.vector_load %arg6[%swap3A_332, %swap3A_333] {strides = array<i32>} : memref<2x128xi32, #tpu.memory_space<vmem>>, vector<1x16xi32>,
      %swap3A_335 = vector.shape_cast %swap3A_334 : vector<1x16xi32> to vector<16xi32>
      %swap3A_336 = vector.shape_cast %select_n3A_330 : vector<16xi32> to vector<1x16xi32>
      tpu.vector_store %arg6[%swap3A_332, %swap3A_333], %swap3A_336 {strides = array<i32>} : memref<2x128xi32, #tpu.memory_space<vmem>>, vector<1x16xi32>,
      %get3A_337 = arith.constant 1 : i32
      %get3A_338 = arith.index_cast %get3A_337 : i32 to index
      %get3A_339 = arith.constant 16 : index
      %get3A_340 = tpu.vector_load %arg6[%get3A_338, %get3A_339] {strides = array<i32>} : memref<2x128xi32, #tpu.memory_space<vmem>>, vector<1x16xi32>,
      %get3A_341 = vector.shape_cast %get3A_340 : vector<1x16xi32> to vector<16xi32>
      %eq3A_342 = arith.constant 0 : i32
      %eq3A_343 = vector.broadcast %eq3A_342 : i32 to vector<16xi32>
      %eq3A_344 = arith.cmpi eq, %get3A_341, %eq3A_343 : vector<16xi32>
      %sub3A_345 = arith.constant 1 : i32
      %sub3A_346 = vector.broadcast %sub3A_345 : i32 to vector<16xi32>
      %sub3A_347 = arith.subi %get3A_341, %sub3A_346 : vector<16xi32>
      %jit3A_348 = arith.constant 1055 : i32
      %broadcast_in_dim3A_349 = vector.broadcast %jit3A_348 : i32 to vector<16xi32>
      %select_n3A_350 = arith.select %eq3A_344, %broadcast_in_dim3A_349, %sub3A_347 : vector<16xi1>, vector<16xi32>
      %swap3A_351 = arith.constant 1 : i32
      %swap3A_352 = arith.index_cast %swap3A_351 : i32 to index
      %swap3A_353 = arith.constant 16 : index
      %swap3A_354 = tpu.vector_load %arg6[%swap3A_352, %swap3A_353] {strides = array<i32>} : memref<2x128xi32, #tpu.memory_space<vmem>>, vector<1x16xi32>,
      %swap3A_355 = vector.shape_cast %swap3A_354 : vector<1x16xi32> to vector<16xi32>
      %swap3A_356 = vector.shape_cast %select_n3A_350 : vector<16xi32> to vector<1x16xi32>
      tpu.vector_store %arg6[%swap3A_352, %swap3A_353], %swap3A_356 {strides = array<i32>} : memref<2x128xi32, #tpu.memory_space<vmem>>, vector<1x16xi32>,
      %get3A_357 = arith.constant 1 : i32
      %get3A_358 = arith.index_cast %get3A_357 : i32 to index
      %get3A_359 = arith.constant 32 : index
      %get3A_360 = tpu.vector_load %arg6[%get3A_358, %get3A_359] {strides = array<i32>} : memref<2x128xi32, #tpu.memory_space<vmem>>, vector<1x16xi32>,
      %get3A_361 = vector.shape_cast %get3A_360 : vector<1x16xi32> to vector<16xi32>
      %eq3A_362 = arith.constant 0 : i32
      %eq3A_363 = vector.broadcast %eq3A_362 : i32 to vector<16xi32>
      %eq3A_364 = arith.cmpi eq, %get3A_361, %eq3A_363 : vector<16xi32>
      %sub3A_365 = arith.constant 1 : i32
      %sub3A_366 = vector.broadcast %sub3A_365 : i32 to vector<16xi32>
      %sub3A_367 = arith.subi %get3A_361, %sub3A_366 : vector<16xi32>
      %jit3A_368 = arith.constant 1055 : i32
      %broadcast_in_dim3A_369 = vector.broadcast %jit3A_368 : i32 to vector<16xi32>
      %select_n3A_370 = arith.select %eq3A_364, %broadcast_in_dim3A_369, %sub3A_367 : vector<16xi1>, vector<16xi32>
      %swap3A_371 = arith.constant 1 : i32
      %swap3A_372 = arith.index_cast %swap3A_371 : i32 to index
      %swap3A_373 = arith.constant 32 : index
      %swap3A_374 = tpu.vector_load %arg6[%swap3A_372, %swap3A_373] {strides = array<i32>} : memref<2x128xi32, #tpu.memory_space<vmem>>, vector<1x16xi32>,
      %swap3A_375 = vector.shape_cast %swap3A_374 : vector<1x16xi32> to vector<16xi32>
      %swap3A_376 = vector.shape_cast %select_n3A_370 : vector<16xi32> to vector<1x16xi32>
      tpu.vector_store %arg6[%swap3A_372, %swap3A_373], %swap3A_376 {strides = array<i32>} : memref<2x128xi32, #tpu.memory_space<vmem>>, vector<1x16xi32>,
      %get3A_377 = arith.constant 1 : i32
      %get3A_378 = arith.index_cast %get3A_377 : i32 to index
      %get3A_379 = arith.constant 48 : index
      %get3A_380 = tpu.vector_load %arg6[%get3A_378, %get3A_379] {strides = array<i32>} : memref<2x128xi32, #tpu.memory_space<vmem>>, vector<1x16xi32>,
      %get3A_381 = vector.shape_cast %get3A_380 : vector<1x16xi32> to vector<16xi32>
      %eq3A_382 = arith.constant 0 : i32
      %eq3A_383 = vector.broadcast %eq3A_382 : i32 to vector<16xi32>
      %eq3A_384 = arith.cmpi eq, %get3A_381, %eq3A_383 : vector<16xi32>
      %sub3A_385 = arith.constant 1 : i32
      %sub3A_386 = vector.broadcast %sub3A_385 : i32 to vector<16xi32>
      %sub3A_387 = arith.subi %get3A_381, %sub3A_386 : vector<16xi32>
      %jit3A_388 = arith.constant 1055 : i32
      %broadcast_in_dim3A_389 = vector.broadcast %jit3A_388 : i32 to vector<16xi32>
      %select_n3A_390 = arith.select %eq3A_384, %broadcast_in_dim3A_389, %sub3A_387 : vector<16xi1>, vector<16xi32>
      %swap3A_391 = arith.constant 1 : i32
      %swap3A_392 = arith.index_cast %swap3A_391 : i32 to index
      %swap3A_393 = arith.constant 48 : index
      %swap3A_394 = tpu.vector_load %arg6[%swap3A_392, %swap3A_393] {strides = array<i32>} : memref<2x128xi32, #tpu.memory_space<vmem>>, vector<1x16xi32>,
      %swap3A_395 = vector.shape_cast %swap3A_394 : vector<1x16xi32> to vector<16xi32>
      %swap3A_396 = vector.shape_cast %select_n3A_390 : vector<16xi32> to vector<1x16xi32>
      tpu.vector_store %arg6[%swap3A_392, %swap3A_393], %swap3A_396 {strides = array<i32>} : memref<2x128xi32, #tpu.memory_space<vmem>>, vector<1x16xi32>,
      %get3A_397 = arith.constant 1 : i32
      %get3A_398 = arith.index_cast %get3A_397 : i32 to index
      %get3A_399 = arith.constant 64 : index
      %get3A_400 = tpu.vector_load %arg6[%get3A_398, %get3A_399] {strides = array<i32>} : memref<2x128xi32, #tpu.memory_space<vmem>>, vector<1x16xi32>,
      %get3A_401 = vector.shape_cast %get3A_400 : vector<1x16xi32> to vector<16xi32>
      %eq3A_402 = arith.constant 0 : i32
      %eq3A_403 = vector.broadcast %eq3A_402 : i32 to vector<16xi32>
      %eq3A_404 = arith.cmpi eq, %get3A_401, %eq3A_403 : vector<16xi32>
      %sub3A_405 = arith.constant 1 : i32
      %sub3A_406 = vector.broadcast %sub3A_405 : i32 to vector<16xi32>
      %sub3A_407 = arith.subi %get3A_401, %sub3A_406 : vector<16xi32>
      %jit3A_408 = arith.constant 1055 : i32
      %broadcast_in_dim3A_409 = vector.broadcast %jit3A_408 : i32 to vector<16xi32>
      %select_n3A_410 = arith.select %eq3A_404, %broadcast_in_dim3A_409, %sub3A_407 : vector<16xi1>, vector<16xi32>
      %swap3A_411 = arith.constant 1 : i32
      %swap3A_412 = arith.index_cast %swap3A_411 : i32 to index
      %swap3A_413 = arith.constant 64 : index
      %swap3A_414 = tpu.vector_load %arg6[%swap3A_412, %swap3A_413] {strides = array<i32>} : memref<2x128xi32, #tpu.memory_space<vmem>>, vector<1x16xi32>,
      %swap3A_415 = vector.shape_cast %swap3A_414 : vector<1x16xi32> to vector<16xi32>
      %swap3A_416 = vector.shape_cast %select_n3A_410 : vector<16xi32> to vector<1x16xi32>
      tpu.vector_store %arg6[%swap3A_412, %swap3A_413], %swap3A_416 {strides = array<i32>} : memref<2x128xi32, #tpu.memory_space<vmem>>, vector<1x16xi32>,
      %get3A_417 = arith.constant 1 : i32
      %get3A_418 = arith.index_cast %get3A_417 : i32 to index
      %get3A_419 = arith.constant 80 : index
      %get3A_420 = tpu.vector_load %arg6[%get3A_418, %get3A_419] {strides = array<i32>} : memref<2x128xi32, #tpu.memory_space<vmem>>, vector<1x16xi32>,
      %get3A_421 = vector.shape_cast %get3A_420 : vector<1x16xi32> to vector<16xi32>
      %eq3A_422 = arith.constant 0 : i32
      %eq3A_423 = vector.broadcast %eq3A_422 : i32 to vector<16xi32>
      %eq3A_424 = arith.cmpi eq, %get3A_421, %eq3A_423 : vector<16xi32>
      %sub3A_425 = arith.constant 1 : i32
      %sub3A_426 = vector.broadcast %sub3A_425 : i32 to vector<16xi32>
      %sub3A_427 = arith.subi %get3A_421, %sub3A_426 : vector<16xi32>
      %jit3A_428 = arith.constant 1055 : i32
      %broadcast_in_dim3A_429 = vector.broadcast %jit3A_428 : i32 to vector<16xi32>
      %select_n3A_430 = arith.select %eq3A_424, %broadcast_in_dim3A_429, %sub3A_427 : vector<16xi1>, vector<16xi32>
      %swap3A_431 = arith.constant 1 : i32
      %swap3A_432 = arith.index_cast %swap3A_431 : i32 to index
      %swap3A_433 = arith.constant 80 : index
      %swap3A_434 = tpu.vector_load %arg6[%swap3A_432, %swap3A_433] {strides = array<i32>} : memref<2x128xi32, #tpu.memory_space<vmem>>, vector<1x16xi32>,
      %swap3A_435 = vector.shape_cast %swap3A_434 : vector<1x16xi32> to vector<16xi32>
      %swap3A_436 = vector.shape_cast %select_n3A_430 : vector<16xi32> to vector<1x16xi32>
      tpu.vector_store %arg6[%swap3A_432, %swap3A_433], %swap3A_436 {strides = array<i32>} : memref<2x128xi32, #tpu.memory_space<vmem>>, vector<1x16xi32>,
      %get3A_437 = arith.constant 1 : i32
      %get3A_438 = arith.index_cast %get3A_437 : i32 to index
      %get3A_439 = arith.constant 96 : index
      %get3A_440 = tpu.vector_load %arg6[%get3A_438, %get3A_439] {strides = array<i32>} : memref<2x128xi32, #tpu.memory_space<vmem>>, vector<1x16xi32>,
      %get3A_441 = vector.shape_cast %get3A_440 : vector<1x16xi32> to vector<16xi32>
      %eq3A_442 = arith.constant 0 : i32
      %eq3A_443 = vector.broadcast %eq3A_442 : i32 to vector<16xi32>
      %eq3A_444 = arith.cmpi eq, %get3A_441, %eq3A_443 : vector<16xi32>
      %sub3A_445 = arith.constant 1 : i32
      %sub3A_446 = vector.broadcast %sub3A_445 : i32 to vector<16xi32>
      %sub3A_447 = arith.subi %get3A_441, %sub3A_446 : vector<16xi32>
      %jit3A_448 = arith.constant 1055 : i32
      %broadcast_in_dim3A_449 = vector.broadcast %jit3A_448 : i32 to vector<16xi32>
      %select_n3A_450 = arith.select %eq3A_444, %broadcast_in_dim3A_449, %sub3A_447 : vector<16xi1>, vector<16xi32>
      %swap3A_451 = arith.constant 1 : i32
      %swap3A_452 = arith.index_cast %swap3A_451 : i32 to index
      %swap3A_453 = arith.constant 96 : index
      %swap3A_454 = tpu.vector_load %arg6[%swap3A_452, %swap3A_453] {strides = array<i32>} : memref<2x128xi32, #tpu.memory_space<vmem>>, vector<1x16xi32>,
      %swap3A_455 = vector.shape_cast %swap3A_454 : vector<1x16xi32> to vector<16xi32>
      %swap3A_456 = vector.shape_cast %select_n3A_450 : vector<16xi32> to vector<1x16xi32>
      tpu.vector_store %arg6[%swap3A_452, %swap3A_453], %swap3A_456 {strides = array<i32>} : memref<2x128xi32, #tpu.memory_space<vmem>>, vector<1x16xi32>,
      %get3A_457 = arith.constant 1 : i32
      %get3A_458 = arith.index_cast %get3A_457 : i32 to index
      %get3A_459 = arith.constant 112 : index
      %get3A_460 = tpu.vector_load %arg6[%get3A_458, %get3A_459] {strides = array<i32>} : memref<2x128xi32, #tpu.memory_space<vmem>>, vector<1x16xi32>,
      %get3A_461 = vector.shape_cast %get3A_460 : vector<1x16xi32> to vector<16xi32>
      %eq3A_462 = arith.constant 0 : i32
      %eq3A_463 = vector.broadcast %eq3A_462 : i32 to vector<16xi32>
      %eq3A_464 = arith.cmpi eq, %get3A_461, %eq3A_463 : vector<16xi32>
      %sub3A_465 = arith.constant 1 : i32
      %sub3A_466 = vector.broadcast %sub3A_465 : i32 to vector<16xi32>
      %sub3A_467 = arith.subi %get3A_461, %sub3A_466 : vector<16xi32>
      %jit3A_468 = arith.constant 1055 : i32
      %broadcast_in_dim3A_469 = vector.broadcast %jit3A_468 : i32 to vector<16xi32>
      %select_n3A_470 = arith.select %eq3A_464, %broadcast_in_dim3A_469, %sub3A_467 : vector<16xi1>, vector<16xi32>
      %swap3A_471 = arith.constant 1 : i32
      %swap3A_472 = arith.index_cast %swap3A_471 : i32 to index
      %swap3A_473 = arith.constant 112 : index
      %swap3A_474 = tpu.vector_load %arg6[%swap3A_472, %swap3A_473] {strides = array<i32>} : memref<2x128xi32, #tpu.memory_space<vmem>>, vector<1x16xi32>,
      %swap3A_475 = vector.shape_cast %swap3A_474 : vector<1x16xi32> to vector<16xi32>
      %swap3A_476 = vector.shape_cast %select_n3A_470 : vector<16xi32> to vector<1x16xi32>
      tpu.vector_store %arg6[%swap3A_472, %swap3A_473], %swap3A_476 {strides = array<i32>} : memref<2x128xi32, #tpu.memory_space<vmem>>, vector<1x16xi32>,
      %dma_start3A_477 = arith.constant 1 : i32
      %dma_start3A_478 = arith.constant 1 : i32
      %dma_start3A_479 = arith.constant 0 : i32
      %dma_start3A_480 = arith.constant 0 : i32
      %dma_start3A_481 = tpu.memref_slice %arg7[%dma_start3A_478, %dma_start3A_479, %dma_start3A_480] : memref<2x128x128xf32, #tpu.memory_space<vmem>> -> memref<1x128x128xf32, #tpu.memory_space<vmem>>
      %dma_start3A_482 = tpu.memref_squeeze %dma_start3A_481 : memref<1x128x128xf32, #tpu.memory_space<vmem>> -> memref<128x128xf32, #tpu.memory_space<vmem>>
      %dma_start3A_483 = arith.constant 0 : i32
      %dma_start3A_484 = tpu.memref_slice %arg6[%dma_start3A_477, %dma_start3A_483] : memref<2x128xi32, #tpu.memory_space<vmem>> -> memref<1x128xi32, #tpu.memory_space<vmem>>
      %dma_start3A_485 = tpu.memref_squeeze %dma_start3A_484 : memref<1x128xi32, #tpu.memory_space<vmem>> -> memref<128xi32, #tpu.memory_space<vmem>>
      %dma_start3A_486 = arith.constant 0 : i32
      %dma_start3A_487 = arith.constant 0 : i32
      %dma_start3A_488 = tpu.memref_slice %arg2[%dma_start3A_486, %dma_start3A_487] : memref<1056x128xf32, #tpu.memory_space<hbm>> -> memref<1056x128xf32, #tpu.memory_space<hbm>>
      tpu.enqueue_indirect_dma source(%dma_start3A_488 : memref<1056x128xf32, #tpu.memory_space<hbm>>) target(%dma_start3A_482 : memref<128x128xf32, #tpu.memory_space<vmem>>) offsets(%dma_start3A_485 : memref<128xi32, #tpu.memory_space<vmem>>) semaphore(%arg12 : memref<!tpu.dma_semaphore, #tpu.memory_space<semaphore_mem>>)
      %dma_start3A_489 = arith.constant 1 : i32
      %dma_start3A_490 = arith.constant 0 : i32
      %dma_start3A_491 = arith.constant 0 : i32
      %dma_start3A_492 = tpu.memref_slice %arg8[%dma_start3A_489, %dma_start3A_490, %dma_start3A_491] : memref<2x128x128xf32, #tpu.memory_space<vmem>> -> memref<1x128x128xf32, #tpu.memory_space<vmem>>
      %dma_start3A_493 = tpu.memref_squeeze %dma_start3A_492 : memref<1x128x128xf32, #tpu.memory_space<vmem>> -> memref<128x128xf32, #tpu.memory_space<vmem>>
      %dma_start3A_494 = arith.constant 0 : i32
      %dma_start3A_495 = tpu.memref_slice %arg4[%add3A_300, %dma_start3A_494] : memref<262144x128xf32, #tpu.memory_space<hbm>> -> memref<128x128xf32, #tpu.memory_space<hbm>>
      %dma_start3A_496 = arith.constant 0 : i32
      %dma_start3A_497 = arith.constant 0 : i32
      %dma_start3A_498 = tpu.memref_slice %arg8[%dma_start3A_489, %dma_start3A_496, %dma_start3A_497] : memref<2x128x128xf32, #tpu.memory_space<vmem>> -> memref<1x128x128xf32, #tpu.memory_space<vmem>>
      %dma_start3A_499 = tpu.memref_squeeze %dma_start3A_498 : memref<1x128x128xf32, #tpu.memory_space<vmem>> -> memref<128x128xf32, #tpu.memory_space<vmem>>
      %dma_start3A_500 = arith.constant 0 : i32
      %dma_start3A_501 = tpu.memref_slice %arg4[%add3A_300, %dma_start3A_500] : memref<262144x128xf32, #tpu.memory_space<hbm>> -> memref<128x128xf32, #tpu.memory_space<hbm>>
      tpu.enqueue_dma source(%dma_start3A_501 : memref<128x128xf32, #tpu.memory_space<hbm>>) target(%dma_start3A_499 : memref<128x128xf32, #tpu.memory_space<vmem>>) target_semaphore(%arg14 : memref<!tpu.dma_semaphore, #tpu.memory_space<semaphore_mem>>)
      %add3A_502 = arith.constant 1 : i32
      %add3A_503 = arith.addi %add3A_297, %add3A_502 : i32
      %lt3A_504 = arith.constant 64 : i32
      %lt3A_505 = arith.cmpi slt, %add3A_503, %lt3A_504 : i32
      %convert_element_type3A_506 = arith.extui %lt3A_505 : i1 to i32
      %cond3A_507 = arith.constant 0 : i32
      %cond3A_508 = arith.cmpi ne, %convert_element_type3A_506, %cond3A_507 : i32
      scf.if %cond3A_508 {
        %add3A_553 = arith.constant 128 : i32
        %add3A_554 = arith.addi %add3A_300, %add3A_553 : i32
        %dma_start3A_555 = arith.constant 0 : i32
        %dma_start3A_556 = arith.constant 0 : i32
        %dma_start3A_557 = tpu.memref_slice %arg6[%dma_start3A_555, %dma_start3A_556] : memref<2x128xi32, #tpu.memory_space<vmem>> -> memref<1x128xi32, #tpu.memory_space<vmem>>
        %dma_start3A_558 = tpu.memref_squeeze %dma_start3A_557 : memref<1x128xi32, #tpu.memory_space<vmem>> -> memref<128xi32, #tpu.memory_space<vmem>>
        %dma_start3A_559 = tpu.memref_slice %arg3[%add3A_554] : memref<262144xi32, #tpu.memory_space<hbm>> -> memref<128xi32, #tpu.memory_space<hbm>>
        %dma_start3A_560 = arith.constant 0 : i32
        %dma_start3A_561 = tpu.memref_slice %arg6[%dma_start3A_555, %dma_start3A_560] : memref<2x128xi32, #tpu.memory_space<vmem>> -> memref<1x128xi32, #tpu.memory_space<vmem>>
        %dma_start3A_562 = tpu.memref_squeeze %dma_start3A_561 : memref<1x128xi32, #tpu.memory_space<vmem>> -> memref<128xi32, #tpu.memory_space<vmem>>
        %dma_start3A_563 = tpu.memref_slice %arg3[%add3A_554] : memref<262144xi32, #tpu.memory_space<hbm>> -> memref<128xi32, #tpu.memory_space<hbm>>
        tpu.enqueue_dma source(%dma_start3A_563 : memref<128xi32, #tpu.memory_space<hbm>>) target(%dma_start3A_562 : memref<128xi32, #tpu.memory_space<vmem>>) target_semaphore(%arg9 : memref<!tpu.dma_semaphore, #tpu.memory_space<semaphore_mem>>)
      } else {
      }
      %dma_wait3A_509 = arith.constant 1 : i32
      %dma_wait3A_510 = arith.constant 1 : i32
      %dma_wait3A_511 = arith.constant 0 : i32
      %dma_wait3A_512 = arith.constant 0 : i32
      %dma_wait3A_513 = tpu.memref_slice %arg7[%dma_wait3A_510, %dma_wait3A_511, %dma_wait3A_512] : memref<2x128x128xf32, #tpu.memory_space<vmem>> -> memref<1x128x128xf32, #tpu.memory_space<vmem>>
      %dma_wait3A_514 = tpu.memref_squeeze %dma_wait3A_513 : memref<1x128x128xf32, #tpu.memory_space<vmem>> -> memref<128x128xf32, #tpu.memory_space<vmem>>
      %dma_wait3A_515 = arith.constant 0 : i32
      %dma_wait3A_516 = tpu.memref_slice %arg6[%dma_wait3A_509, %dma_wait3A_515] : memref<2x128xi32, #tpu.memory_space<vmem>> -> memref<1x128xi32, #tpu.memory_space<vmem>>
      %dma_wait3A_517 = tpu.memref_squeeze %dma_wait3A_516 : memref<1x128xi32, #tpu.memory_space<vmem>> -> memref<128xi32, #tpu.memory_space<vmem>>
      %dma_wait3A_518 = arith.constant 0 : i32
      %dma_wait3A_519 = arith.constant 0 : i32
      %dma_wait3A_520 = tpu.memref_slice %arg2[%dma_wait3A_518, %dma_wait3A_519] : memref<1056x128xf32, #tpu.memory_space<hbm>> -> memref<1056x128xf32, #tpu.memory_space<hbm>>
      tpu.wait_indirect_dma semaphore(%arg12 : memref<!tpu.dma_semaphore, #tpu.memory_space<semaphore_mem>>) src(%dma_wait3A_520 : memref<1056x128xf32, #tpu.memory_space<hbm>>) dst(%dma_wait3A_514 : memref<128x128xf32, #tpu.memory_space<vmem>>)
      %dma_wait3A_521 = arith.constant 1 : i32
      %dma_wait3A_522 = arith.constant 0 : i32
      %dma_wait3A_523 = arith.constant 0 : i32
      %dma_wait3A_524 = tpu.memref_slice %arg8[%dma_wait3A_521, %dma_wait3A_522, %dma_wait3A_523] : memref<2x128x128xf32, #tpu.memory_space<vmem>> -> memref<1x128x128xf32, #tpu.memory_space<vmem>>
      %dma_wait3A_525 = tpu.memref_squeeze %dma_wait3A_524 : memref<1x128x128xf32, #tpu.memory_space<vmem>> -> memref<128x128xf32, #tpu.memory_space<vmem>>
      %dma_wait3A_526 = arith.constant 0 : i32
      %dma_wait3A_527 = tpu.memref_slice %arg4[%add3A_300, %dma_wait3A_526] : memref<262144x128xf32, #tpu.memory_space<hbm>> -> memref<128x128xf32, #tpu.memory_space<hbm>>
      %dma_wait3A_528 = arith.constant 0 : i32
      %dma_wait3A_529 = arith.constant 0 : i32
      %dma_wait3A_530 = tpu.memref_slice %arg8[%dma_wait3A_521, %dma_wait3A_528, %dma_wait3A_529] : memref<2x128x128xf32, #tpu.memory_space<vmem>> -> memref<1x128x128xf32, #tpu.memory_space<vmem>>
      %dma_wait3A_531 = tpu.memref_squeeze %dma_wait3A_530 : memref<1x128x128xf32, #tpu.memory_space<vmem>> -> memref<128x128xf32, #tpu.memory_space<vmem>>
      %dma_wait3A_532 = arith.constant 0 : i32
      %dma_wait3A_533 = tpu.memref_slice %arg4[%add3A_300, %dma_wait3A_532] : memref<262144x128xf32, #tpu.memory_space<hbm>> -> memref<128x128xf32, #tpu.memory_space<hbm>>
      tpu.wait_dma2 semaphore(%arg14 : memref<!tpu.dma_semaphore, #tpu.memory_space<semaphore_mem>>) src(%dma_wait3A_533 : memref<128x128xf32, #tpu.memory_space<hbm>>) dst(%dma_wait3A_531 : memref<128x128xf32, #tpu.memory_space<vmem>>)
      %scan3A_534 = arith.constant 0 : i32
      %scan3A_535 = arith.constant 0 : i32
      %scan3A_536 = arith.constant 128 : i32
      %scan3A_537 = arith.addi %scan3A_535, %scan3A_536 : i32
      %scan3A_538 = arith.constant 2 : i32
      scf.for %scan3A_553 = %scan3A_535 to %scan3A_537 step %scan3A_538  : i32 {
        %get3A_554 = arith.constant 1 : i32
        %get3A_555 = arith.index_cast %get3A_554 : i32 to index
        %get3A_556 = arith.index_cast %scan3A_553 : i32 to index
        %get3A_557 = arith.constant 0 : index
        %get3A_558 = tpu.vector_load %arg8[%get3A_555, %get3A_556, %get3A_557] {strides = array<i32>} : memref<2x128x128xf32, #tpu.memory_space<vmem>>, vector<1x1x16xf32>,
        %get3A_559 = vector.shape_cast %get3A_558 : vector<1x1x16xf32> to vector<16xf32>
        %swap3A_560 = arith.constant 1 : i32
        %swap3A_561 = arith.index_cast %swap3A_560 : i32 to index
        %swap3A_562 = arith.index_cast %scan3A_553 : i32 to index
        %swap3A_563 = arith.constant 0 : index
        %swap3A_564 = tpu.vector_load %arg7[%swap3A_561, %swap3A_562, %swap3A_563] {strides = array<i32>} : memref<2x128x128xf32, #tpu.memory_space<vmem>>, vector<1x1x16xf32>,
        %swap3A_565 = vector.shape_cast %swap3A_564 : vector<1x1x16xf32> to vector<16xf32>
        %swap3A_566 = vector.shape_cast %get3A_559 : vector<16xf32> to vector<1x1x16xf32>
        tpu.vector_store %arg7[%swap3A_561, %swap3A_562, %swap3A_563], %swap3A_566 {add = true, strides = array<i32>} : memref<2x128x128xf32, #tpu.memory_space<vmem>>, vector<1x1x16xf32>,
        %get3A_567 = arith.constant 1 : i32
        %get3A_568 = arith.index_cast %get3A_567 : i32 to index
        %get3A_569 = arith.index_cast %scan3A_553 : i32 to index
        %get3A_570 = arith.constant 16 : index
        %get3A_571 = tpu.vector_load %arg8[%get3A_568, %get3A_569, %get3A_570] {strides = array<i32>} : memref<2x128x128xf32, #tpu.memory_space<vmem>>, vector<1x1x16xf32>,
        %get3A_572 = vector.shape_cast %get3A_571 : vector<1x1x16xf32> to vector<16xf32>
        %swap3A_573 = arith.constant 1 : i32
        %swap3A_574 = arith.index_cast %swap3A_573 : i32 to index
        %swap3A_575 = arith.index_cast %scan3A_553 : i32 to index
        %swap3A_576 = arith.constant 16 : index
        %swap3A_577 = tpu.vector_load %arg7[%swap3A_574, %swap3A_575, %swap3A_576] {strides = array<i32>} : memref<2x128x128xf32, #tpu.memory_space<vmem>>, vector<1x1x16xf32>,
        %swap3A_578 = vector.shape_cast %swap3A_577 : vector<1x1x16xf32> to vector<16xf32>
        %swap3A_579 = vector.shape_cast %get3A_572 : vector<16xf32> to vector<1x1x16xf32>
        tpu.vector_store %arg7[%swap3A_574, %swap3A_575, %swap3A_576], %swap3A_579 {add = true, strides = array<i32>} : memref<2x128x128xf32, #tpu.memory_space<vmem>>, vector<1x1x16xf32>,
        %get3A_580 = arith.constant 1 : i32
        %get3A_581 = arith.index_cast %get3A_580 : i32 to index
        %get3A_582 = arith.index_cast %scan3A_553 : i32 to index
        %get3A_583 = arith.constant 32 : index
        %get3A_584 = tpu.vector_load %arg8[%get3A_581, %get3A_582, %get3A_583] {strides = array<i32>} : memref<2x128x128xf32, #tpu.memory_space<vmem>>, vector<1x1x16xf32>,
        %get3A_585 = vector.shape_cast %get3A_584 : vector<1x1x16xf32> to vector<16xf32>
        %swap3A_586 = arith.constant 1 : i32
        %swap3A_587 = arith.index_cast %swap3A_586 : i32 to index
        %swap3A_588 = arith.index_cast %scan3A_553 : i32 to index
        %swap3A_589 = arith.constant 32 : index
        %swap3A_590 = tpu.vector_load %arg7[%swap3A_587, %swap3A_588, %swap3A_589] {strides = array<i32>} : memref<2x128x128xf32, #tpu.memory_space<vmem>>, vector<1x1x16xf32>,
        %swap3A_591 = vector.shape_cast %swap3A_590 : vector<1x1x16xf32> to vector<16xf32>
        %swap3A_592 = vector.shape_cast %get3A_585 : vector<16xf32> to vector<1x1x16xf32>
        tpu.vector_store %arg7[%swap3A_587, %swap3A_588, %swap3A_589], %swap3A_592 {add = true, strides = array<i32>} : memref<2x128x128xf32, #tpu.memory_space<vmem>>, vector<1x1x16xf32>,
        %get3A_593 = arith.constant 1 : i32
        %get3A_594 = arith.index_cast %get3A_593 : i32 to index
        %get3A_595 = arith.index_cast %scan3A_553 : i32 to index
        %get3A_596 = arith.constant 48 : index
        %get3A_597 = tpu.vector_load %arg8[%get3A_594, %get3A_595, %get3A_596] {strides = array<i32>} : memref<2x128x128xf32, #tpu.memory_space<vmem>>, vector<1x1x16xf32>,
        %get3A_598 = vector.shape_cast %get3A_597 : vector<1x1x16xf32> to vector<16xf32>
        %swap3A_599 = arith.constant 1 : i32
        %swap3A_600 = arith.index_cast %swap3A_599 : i32 to index
        %swap3A_601 = arith.index_cast %scan3A_553 : i32 to index
        %swap3A_602 = arith.constant 48 : index
        %swap3A_603 = tpu.vector_load %arg7[%swap3A_600, %swap3A_601, %swap3A_602] {strides = array<i32>} : memref<2x128x128xf32, #tpu.memory_space<vmem>>, vector<1x1x16xf32>,
        %swap3A_604 = vector.shape_cast %swap3A_603 : vector<1x1x16xf32> to vector<16xf32>
        %swap3A_605 = vector.shape_cast %get3A_598 : vector<16xf32> to vector<1x1x16xf32>
        tpu.vector_store %arg7[%swap3A_600, %swap3A_601, %swap3A_602], %swap3A_605 {add = true, strides = array<i32>} : memref<2x128x128xf32, #tpu.memory_space<vmem>>, vector<1x1x16xf32>,
        %get3A_606 = arith.constant 1 : i32
        %get3A_607 = arith.index_cast %get3A_606 : i32 to index
        %get3A_608 = arith.index_cast %scan3A_553 : i32 to index
        %get3A_609 = arith.constant 64 : index
        %get3A_610 = tpu.vector_load %arg8[%get3A_607, %get3A_608, %get3A_609] {strides = array<i32>} : memref<2x128x128xf32, #tpu.memory_space<vmem>>, vector<1x1x16xf32>,
        %get3A_611 = vector.shape_cast %get3A_610 : vector<1x1x16xf32> to vector<16xf32>
        %swap3A_612 = arith.constant 1 : i32
        %swap3A_613 = arith.index_cast %swap3A_612 : i32 to index
        %swap3A_614 = arith.index_cast %scan3A_553 : i32 to index
        %swap3A_615 = arith.constant 64 : index
        %swap3A_616 = tpu.vector_load %arg7[%swap3A_613, %swap3A_614, %swap3A_615] {strides = array<i32>} : memref<2x128x128xf32, #tpu.memory_space<vmem>>, vector<1x1x16xf32>,
        %swap3A_617 = vector.shape_cast %swap3A_616 : vector<1x1x16xf32> to vector<16xf32>
        %swap3A_618 = vector.shape_cast %get3A_611 : vector<16xf32> to vector<1x1x16xf32>
        tpu.vector_store %arg7[%swap3A_613, %swap3A_614, %swap3A_615], %swap3A_618 {add = true, strides = array<i32>} : memref<2x128x128xf32, #tpu.memory_space<vmem>>, vector<1x1x16xf32>,
        %get3A_619 = arith.constant 1 : i32
        %get3A_620 = arith.index_cast %get3A_619 : i32 to index
        %get3A_621 = arith.index_cast %scan3A_553 : i32 to index
        %get3A_622 = arith.constant 80 : index
        %get3A_623 = tpu.vector_load %arg8[%get3A_620, %get3A_621, %get3A_622] {strides = array<i32>} : memref<2x128x128xf32, #tpu.memory_space<vmem>>, vector<1x1x16xf32>,
        %get3A_624 = vector.shape_cast %get3A_623 : vector<1x1x16xf32> to vector<16xf32>
        %swap3A_625 = arith.constant 1 : i32
        %swap3A_626 = arith.index_cast %swap3A_625 : i32 to index
        %swap3A_627 = arith.index_cast %scan3A_553 : i32 to index
        %swap3A_628 = arith.constant 80 : index
        %swap3A_629 = tpu.vector_load %arg7[%swap3A_626, %swap3A_627, %swap3A_628] {strides = array<i32>} : memref<2x128x128xf32, #tpu.memory_space<vmem>>, vector<1x1x16xf32>,
        %swap3A_630 = vector.shape_cast %swap3A_629 : vector<1x1x16xf32> to vector<16xf32>
        %swap3A_631 = vector.shape_cast %get3A_624 : vector<16xf32> to vector<1x1x16xf32>
        tpu.vector_store %arg7[%swap3A_626, %swap3A_627, %swap3A_628], %swap3A_631 {add = true, strides = array<i32>} : memref<2x128x128xf32, #tpu.memory_space<vmem>>, vector<1x1x16xf32>,
        %get3A_632 = arith.constant 1 : i32
        %get3A_633 = arith.index_cast %get3A_632 : i32 to index
        %get3A_634 = arith.index_cast %scan3A_553 : i32 to index
        %get3A_635 = arith.constant 96 : index
        %get3A_636 = tpu.vector_load %arg8[%get3A_633, %get3A_634, %get3A_635] {strides = array<i32>} : memref<2x128x128xf32, #tpu.memory_space<vmem>>, vector<1x1x16xf32>,
        %get3A_637 = vector.shape_cast %get3A_636 : vector<1x1x16xf32> to vector<16xf32>
        %swap3A_638 = arith.constant 1 : i32
        %swap3A_639 = arith.index_cast %swap3A_638 : i32 to index
        %swap3A_640 = arith.index_cast %scan3A_553 : i32 to index
        %swap3A_641 = arith.constant 96 : index
        %swap3A_642 = tpu.vector_load %arg7[%swap3A_639, %swap3A_640, %swap3A_641] {strides = array<i32>} : memref<2x128x128xf32, #tpu.memory_space<vmem>>, vector<1x1x16xf32>,
        %swap3A_643 = vector.shape_cast %swap3A_642 : vector<1x1x16xf32> to vector<16xf32>
        %swap3A_644 = vector.shape_cast %get3A_637 : vector<16xf32> to vector<1x1x16xf32>
        tpu.vector_store %arg7[%swap3A_639, %swap3A_640, %swap3A_641], %swap3A_644 {add = true, strides = array<i32>} : memref<2x128x128xf32, #tpu.memory_space<vmem>>, vector<1x1x16xf32>,
        %get3A_645 = arith.constant 1 : i32
        %get3A_646 = arith.index_cast %get3A_645 : i32 to index
        %get3A_647 = arith.index_cast %scan3A_553 : i32 to index
        %get3A_648 = arith.constant 112 : index
        %get3A_649 = tpu.vector_load %arg8[%get3A_646, %get3A_647, %get3A_648] {strides = array<i32>} : memref<2x128x128xf32, #tpu.memory_space<vmem>>, vector<1x1x16xf32>,
        %get3A_650 = vector.shape_cast %get3A_649 : vector<1x1x16xf32> to vector<16xf32>
        %swap3A_651 = arith.constant 1 : i32
        %swap3A_652 = arith.index_cast %swap3A_651 : i32 to index
        %swap3A_653 = arith.index_cast %scan3A_553 : i32 to index
        %swap3A_654 = arith.constant 112 : index
        %swap3A_655 = tpu.vector_load %arg7[%swap3A_652, %swap3A_653, %swap3A_654] {strides = array<i32>} : memref<2x128x128xf32, #tpu.memory_space<vmem>>, vector<1x1x16xf32>,
        %swap3A_656 = vector.shape_cast %swap3A_655 : vector<1x1x16xf32> to vector<16xf32>
        %swap3A_657 = vector.shape_cast %get3A_650 : vector<16xf32> to vector<1x1x16xf32>
        tpu.vector_store %arg7[%swap3A_652, %swap3A_653, %swap3A_654], %swap3A_657 {add = true, strides = array<i32>} : memref<2x128x128xf32, #tpu.memory_space<vmem>>, vector<1x1x16xf32>,
        %scan3A_658 = arith.constant 1 : i32
        %scan3A_659 = arith.addi %scan3A_553, %scan3A_658 : i32
        %get3A_660 = arith.constant 1 : i32
        %get3A_661 = arith.index_cast %get3A_660 : i32 to index
        %get3A_662 = arith.index_cast %scan3A_659 : i32 to index
        %get3A_663 = arith.constant 0 : index
        %get3A_664 = tpu.vector_load %arg8[%get3A_661, %get3A_662, %get3A_663] {strides = array<i32>} : memref<2x128x128xf32, #tpu.memory_space<vmem>>, vector<1x1x16xf32>,
        %get3A_665 = vector.shape_cast %get3A_664 : vector<1x1x16xf32> to vector<16xf32>
        %swap3A_666 = arith.constant 1 : i32
        %swap3A_667 = arith.index_cast %swap3A_666 : i32 to index
        %swap3A_668 = arith.index_cast %scan3A_659 : i32 to index
        %swap3A_669 = arith.constant 0 : index
        %swap3A_670 = tpu.vector_load %arg7[%swap3A_667, %swap3A_668, %swap3A_669] {strides = array<i32>} : memref<2x128x128xf32, #tpu.memory_space<vmem>>, vector<1x1x16xf32>,
        %swap3A_671 = vector.shape_cast %swap3A_670 : vector<1x1x16xf32> to vector<16xf32>
        %swap3A_672 = vector.shape_cast %get3A_665 : vector<16xf32> to vector<1x1x16xf32>
        tpu.vector_store %arg7[%swap3A_667, %swap3A_668, %swap3A_669], %swap3A_672 {add = true, strides = array<i32>} : memref<2x128x128xf32, #tpu.memory_space<vmem>>, vector<1x1x16xf32>,
        %get3A_673 = arith.constant 1 : i32
        %get3A_674 = arith.index_cast %get3A_673 : i32 to index
        %get3A_675 = arith.index_cast %scan3A_659 : i32 to index
        %get3A_676 = arith.constant 16 : index
        %get3A_677 = tpu.vector_load %arg8[%get3A_674, %get3A_675, %get3A_676] {strides = array<i32>} : memref<2x128x128xf32, #tpu.memory_space<vmem>>, vector<1x1x16xf32>,
        %get3A_678 = vector.shape_cast %get3A_677 : vector<1x1x16xf32> to vector<16xf32>
        %swap3A_679 = arith.constant 1 : i32
        %swap3A_680 = arith.index_cast %swap3A_679 : i32 to index
        %swap3A_681 = arith.index_cast %scan3A_659 : i32 to index
        %swap3A_682 = arith.constant 16 : index
        %swap3A_683 = tpu.vector_load %arg7[%swap3A_680, %swap3A_681, %swap3A_682] {strides = array<i32>} : memref<2x128x128xf32, #tpu.memory_space<vmem>>, vector<1x1x16xf32>,
        %swap3A_684 = vector.shape_cast %swap3A_683 : vector<1x1x16xf32> to vector<16xf32>
        %swap3A_685 = vector.shape_cast %get3A_678 : vector<16xf32> to vector<1x1x16xf32>
        tpu.vector_store %arg7[%swap3A_680, %swap3A_681, %swap3A_682], %swap3A_685 {add = true, strides = array<i32>} : memref<2x128x128xf32, #tpu.memory_space<vmem>>, vector<1x1x16xf32>,
        %get3A_686 = arith.constant 1 : i32
        %get3A_687 = arith.index_cast %get3A_686 : i32 to index
        %get3A_688 = arith.index_cast %scan3A_659 : i32 to index
        %get3A_689 = arith.constant 32 : index
        %get3A_690 = tpu.vector_load %arg8[%get3A_687, %get3A_688, %get3A_689] {strides = array<i32>} : memref<2x128x128xf32, #tpu.memory_space<vmem>>, vector<1x1x16xf32>,
        %get3A_691 = vector.shape_cast %get3A_690 : vector<1x1x16xf32> to vector<16xf32>
        %swap3A_692 = arith.constant 1 : i32
        %swap3A_693 = arith.index_cast %swap3A_692 : i32 to index
        %swap3A_694 = arith.index_cast %scan3A_659 : i32 to index
        %swap3A_695 = arith.constant 32 : index
        %swap3A_696 = tpu.vector_load %arg7[%swap3A_693, %swap3A_694, %swap3A_695] {strides = array<i32>} : memref<2x128x128xf32, #tpu.memory_space<vmem>>, vector<1x1x16xf32>,
        %swap3A_697 = vector.shape_cast %swap3A_696 : vector<1x1x16xf32> to vector<16xf32>
        %swap3A_698 = vector.shape_cast %get3A_691 : vector<16xf32> to vector<1x1x16xf32>
        tpu.vector_store %arg7[%swap3A_693, %swap3A_694, %swap3A_695], %swap3A_698 {add = true, strides = array<i32>} : memref<2x128x128xf32, #tpu.memory_space<vmem>>, vector<1x1x16xf32>,
        %get3A_699 = arith.constant 1 : i32
        %get3A_700 = arith.index_cast %get3A_699 : i32 to index
        %get3A_701 = arith.index_cast %scan3A_659 : i32 to index
        %get3A_702 = arith.constant 48 : index
        %get3A_703 = tpu.vector_load %arg8[%get3A_700, %get3A_701, %get3A_702] {strides = array<i32>} : memref<2x128x128xf32, #tpu.memory_space<vmem>>, vector<1x1x16xf32>,
        %get3A_704 = vector.shape_cast %get3A_703 : vector<1x1x16xf32> to vector<16xf32>
        %swap3A_705 = arith.constant 1 : i32
        %swap3A_706 = arith.index_cast %swap3A_705 : i32 to index
        %swap3A_707 = arith.index_cast %scan3A_659 : i32 to index
        %swap3A_708 = arith.constant 48 : index
        %swap3A_709 = tpu.vector_load %arg7[%swap3A_706, %swap3A_707, %swap3A_708] {strides = array<i32>} : memref<2x128x128xf32, #tpu.memory_space<vmem>>, vector<1x1x16xf32>,
        %swap3A_710 = vector.shape_cast %swap3A_709 : vector<1x1x16xf32> to vector<16xf32>
        %swap3A_711 = vector.shape_cast %get3A_704 : vector<16xf32> to vector<1x1x16xf32>
        tpu.vector_store %arg7[%swap3A_706, %swap3A_707, %swap3A_708], %swap3A_711 {add = true, strides = array<i32>} : memref<2x128x128xf32, #tpu.memory_space<vmem>>, vector<1x1x16xf32>,
        %get3A_712 = arith.constant 1 : i32
        %get3A_713 = arith.index_cast %get3A_712 : i32 to index
        %get3A_714 = arith.index_cast %scan3A_659 : i32 to index
        %get3A_715 = arith.constant 64 : index
        %get3A_716 = tpu.vector_load %arg8[%get3A_713, %get3A_714, %get3A_715] {strides = array<i32>} : memref<2x128x128xf32, #tpu.memory_space<vmem>>, vector<1x1x16xf32>,
        %get3A_717 = vector.shape_cast %get3A_716 : vector<1x1x16xf32> to vector<16xf32>
        %swap3A_718 = arith.constant 1 : i32
        %swap3A_719 = arith.index_cast %swap3A_718 : i32 to index
        %swap3A_720 = arith.index_cast %scan3A_659 : i32 to index
        %swap3A_721 = arith.constant 64 : index
        %swap3A_722 = tpu.vector_load %arg7[%swap3A_719, %swap3A_720, %swap3A_721] {strides = array<i32>} : memref<2x128x128xf32, #tpu.memory_space<vmem>>, vector<1x1x16xf32>,
        %swap3A_723 = vector.shape_cast %swap3A_722 : vector<1x1x16xf32> to vector<16xf32>
        %swap3A_724 = vector.shape_cast %get3A_717 : vector<16xf32> to vector<1x1x16xf32>
        tpu.vector_store %arg7[%swap3A_719, %swap3A_720, %swap3A_721], %swap3A_724 {add = true, strides = array<i32>} : memref<2x128x128xf32, #tpu.memory_space<vmem>>, vector<1x1x16xf32>,
        %get3A_725 = arith.constant 1 : i32
        %get3A_726 = arith.index_cast %get3A_725 : i32 to index
        %get3A_727 = arith.index_cast %scan3A_659 : i32 to index
        %get3A_728 = arith.constant 80 : index
        %get3A_729 = tpu.vector_load %arg8[%get3A_726, %get3A_727, %get3A_728] {strides = array<i32>} : memref<2x128x128xf32, #tpu.memory_space<vmem>>, vector<1x1x16xf32>,
        %get3A_730 = vector.shape_cast %get3A_729 : vector<1x1x16xf32> to vector<16xf32>
        %swap3A_731 = arith.constant 1 : i32
        %swap3A_732 = arith.index_cast %swap3A_731 : i32 to index
        %swap3A_733 = arith.index_cast %scan3A_659 : i32 to index
        %swap3A_734 = arith.constant 80 : index
        %swap3A_735 = tpu.vector_load %arg7[%swap3A_732, %swap3A_733, %swap3A_734] {strides = array<i32>} : memref<2x128x128xf32, #tpu.memory_space<vmem>>, vector<1x1x16xf32>,
        %swap3A_736 = vector.shape_cast %swap3A_735 : vector<1x1x16xf32> to vector<16xf32>
        %swap3A_737 = vector.shape_cast %get3A_730 : vector<16xf32> to vector<1x1x16xf32>
        tpu.vector_store %arg7[%swap3A_732, %swap3A_733, %swap3A_734], %swap3A_737 {add = true, strides = array<i32>} : memref<2x128x128xf32, #tpu.memory_space<vmem>>, vector<1x1x16xf32>,
        %get3A_738 = arith.constant 1 : i32
        %get3A_739 = arith.index_cast %get3A_738 : i32 to index
        %get3A_740 = arith.index_cast %scan3A_659 : i32 to index
        %get3A_741 = arith.constant 96 : index
        %get3A_742 = tpu.vector_load %arg8[%get3A_739, %get3A_740, %get3A_741] {strides = array<i32>} : memref<2x128x128xf32, #tpu.memory_space<vmem>>, vector<1x1x16xf32>,
        %get3A_743 = vector.shape_cast %get3A_742 : vector<1x1x16xf32> to vector<16xf32>
        %swap3A_744 = arith.constant 1 : i32
        %swap3A_745 = arith.index_cast %swap3A_744 : i32 to index
        %swap3A_746 = arith.index_cast %scan3A_659 : i32 to index
        %swap3A_747 = arith.constant 96 : index
        %swap3A_748 = tpu.vector_load %arg7[%swap3A_745, %swap3A_746, %swap3A_747] {strides = array<i32>} : memref<2x128x128xf32, #tpu.memory_space<vmem>>, vector<1x1x16xf32>,
        %swap3A_749 = vector.shape_cast %swap3A_748 : vector<1x1x16xf32> to vector<16xf32>
        %swap3A_750 = vector.shape_cast %get3A_743 : vector<16xf32> to vector<1x1x16xf32>
        tpu.vector_store %arg7[%swap3A_745, %swap3A_746, %swap3A_747], %swap3A_750 {add = true, strides = array<i32>} : memref<2x128x128xf32, #tpu.memory_space<vmem>>, vector<1x1x16xf32>,
        %get3A_751 = arith.constant 1 : i32
        %get3A_752 = arith.index_cast %get3A_751 : i32 to index
        %get3A_753 = arith.index_cast %scan3A_659 : i32 to index
        %get3A_754 = arith.constant 112 : index
        %get3A_755 = tpu.vector_load %arg8[%get3A_752, %get3A_753, %get3A_754] {strides = array<i32>} : memref<2x128x128xf32, #tpu.memory_space<vmem>>, vector<1x1x16xf32>,
        %get3A_756 = vector.shape_cast %get3A_755 : vector<1x1x16xf32> to vector<16xf32>
        %swap3A_757 = arith.constant 1 : i32
        %swap3A_758 = arith.index_cast %swap3A_757 : i32 to index
        %swap3A_759 = arith.index_cast %scan3A_659 : i32 to index
        %swap3A_760 = arith.constant 112 : index
        %swap3A_761 = tpu.vector_load %arg7[%swap3A_758, %swap3A_759, %swap3A_760] {strides = array<i32>} : memref<2x128x128xf32, #tpu.memory_space<vmem>>, vector<1x1x16xf32>,
        %swap3A_762 = vector.shape_cast %swap3A_761 : vector<1x1x16xf32> to vector<16xf32>
        %swap3A_763 = vector.shape_cast %get3A_756 : vector<16xf32> to vector<1x1x16xf32>
        tpu.vector_store %arg7[%swap3A_758, %swap3A_759, %swap3A_760], %swap3A_763 {add = true, strides = array<i32>} : memref<2x128x128xf32, #tpu.memory_space<vmem>>, vector<1x1x16xf32>,
      }
      %scan3A_539 = arith.constant 128 : i32
      %dma_start3A_540 = arith.constant 1 : i32
      %dma_start3A_541 = arith.constant 0 : i32
      %dma_start3A_542 = arith.constant 0 : i32
      %dma_start3A_543 = tpu.memref_slice %arg7[%dma_start3A_540, %dma_start3A_541, %dma_start3A_542] : memref<2x128x128xf32, #tpu.memory_space<vmem>> -> memref<1x128x128xf32, #tpu.memory_space<vmem>>
      %dma_start3A_544 = tpu.memref_squeeze %dma_start3A_543 : memref<1x128x128xf32, #tpu.memory_space<vmem>> -> memref<128x128xf32, #tpu.memory_space<vmem>>
      %dma_start3A_545 = arith.constant 0 : i32
      %dma_start3A_546 = tpu.memref_slice %arg5[%add3A_300, %dma_start3A_545] : memref<262144x128xf32, #tpu.memory_space<hbm>> -> memref<128x128xf32, #tpu.memory_space<hbm>>
      %dma_start3A_547 = arith.constant 0 : i32
      %dma_start3A_548 = tpu.memref_slice %arg5[%add3A_300, %dma_start3A_547] : memref<262144x128xf32, #tpu.memory_space<hbm>> -> memref<128x128xf32, #tpu.memory_space<hbm>>
      %dma_start3A_549 = arith.constant 0 : i32
      %dma_start3A_550 = arith.constant 0 : i32
      %dma_start3A_551 = tpu.memref_slice %arg7[%dma_start3A_540, %dma_start3A_549, %dma_start3A_550] : memref<2x128x128xf32, #tpu.memory_space<vmem>> -> memref<1x128x128xf32, #tpu.memory_space<vmem>>
      %dma_start3A_552 = tpu.memref_squeeze %dma_start3A_551 : memref<1x128x128xf32, #tpu.memory_space<vmem>> -> memref<128x128xf32, #tpu.memory_space<vmem>>
      tpu.enqueue_dma source(%dma_start3A_552 : memref<128x128xf32, #tpu.memory_space<vmem>>) target(%dma_start3A_548 : memref<128x128xf32, #tpu.memory_space<hbm>>) target_semaphore(%arg16 : memref<!tpu.dma_semaphore, #tpu.memory_space<semaphore_mem>>)
    }
    %scan3A_15 = arith.constant 32 : i32
    %dma_wait3A = arith.constant 0 : i32
    %dma_wait3A_16 = arith.constant 0 : i32
    %dma_wait3A_17 = arith.constant 0 : i32
    %dma_wait3A_18 = tpu.memref_slice %arg7[%dma_wait3A, %dma_wait3A_16, %dma_wait3A_17] : memref<2x128x128xf32, #tpu.memory_space<vmem>> -> memref<1x128x128xf32, #tpu.memory_space<vmem>>
    %dma_wait3A_19 = tpu.memref_squeeze %dma_wait3A_18 : memref<1x128x128xf32, #tpu.memory_space<vmem>> -> memref<128x128xf32, #tpu.memory_space<vmem>>
    %dma_wait3A_20 = arith.constant 0 : i32
    %dma_wait3A_21 = arith.constant 0 : i32
    %dma_wait3A_22 = tpu.memref_slice %arg5[%dma_wait3A_20, %dma_wait3A_21] : memref<262144x128xf32, #tpu.memory_space<hbm>> -> memref<128x128xf32, #tpu.memory_space<hbm>>
    %dma_wait3A_23 = arith.constant 0 : i32
    %dma_wait3A_24 = arith.constant 0 : i32
    %dma_wait3A_25 = tpu.memref_slice %arg5[%dma_wait3A_23, %dma_wait3A_24] : memref<262144x128xf32, #tpu.memory_space<hbm>> -> memref<128x128xf32, #tpu.memory_space<hbm>>
    %dma_wait3A_26 = arith.constant 0 : i32
    %dma_wait3A_27 = arith.constant 0 : i32
    %dma_wait3A_28 = tpu.memref_slice %arg7[%dma_wait3A, %dma_wait3A_26, %dma_wait3A_27] : memref<2x128x128xf32, #tpu.memory_space<vmem>> -> memref<1x128x128xf32, #tpu.memory_space<vmem>>
    %dma_wait3A_29 = tpu.memref_squeeze %dma_wait3A_28 : memref<1x128x128xf32, #tpu.memory_space<vmem>> -> memref<128x128xf32, #tpu.memory_space<vmem>>
    tpu.wait_dma2 semaphore(%arg15 : memref<!tpu.dma_semaphore, #tpu.memory_space<semaphore_mem>>) src(%dma_wait3A_29 : memref<128x128xf32, #tpu.memory_space<vmem>>) dst(%dma_wait3A_25 : memref<128x128xf32, #tpu.memory_space<hbm>>)
    %dma_wait3A_30 = arith.constant 1 : i32
    %dma_wait3A_31 = arith.constant 0 : i32
    %dma_wait3A_32 = arith.constant 0 : i32
    %dma_wait3A_33 = tpu.memref_slice %arg7[%dma_wait3A_30, %dma_wait3A_31, %dma_wait3A_32] : memref<2x128x128xf32, #tpu.memory_space<vmem>> -> memref<1x128x128xf32, #tpu.memory_space<vmem>>
    %dma_wait3A_34 = tpu.memref_squeeze %dma_wait3A_33 : memref<1x128x128xf32, #tpu.memory_space<vmem>> -> memref<128x128xf32, #tpu.memory_space<vmem>>
    %dma_wait3A_35 = arith.constant 0 : i32
    %dma_wait3A_36 = arith.constant 0 : i32
    %dma_wait3A_37 = tpu.memref_slice %arg5[%dma_wait3A_35, %dma_wait3A_36] : memref<262144x128xf32, #tpu.memory_space<hbm>> -> memref<128x128xf32, #tpu.memory_space<hbm>>
    %dma_wait3A_38 = arith.constant 0 : i32
    %dma_wait3A_39 = arith.constant 0 : i32
    %dma_wait3A_40 = tpu.memref_slice %arg5[%dma_wait3A_38, %dma_wait3A_39] : memref<262144x128xf32, #tpu.memory_space<hbm>> -> memref<128x128xf32, #tpu.memory_space<hbm>>
    %dma_wait3A_41 = arith.constant 0 : i32
    %dma_wait3A_42 = arith.constant 0 : i32
    %dma_wait3A_43 = tpu.memref_slice %arg7[%dma_wait3A_30, %dma_wait3A_41, %dma_wait3A_42] : memref<2x128x128xf32, #tpu.memory_space<vmem>> -> memref<1x128x128xf32, #tpu.memory_space<vmem>>
    %dma_wait3A_44 = tpu.memref_squeeze %dma_wait3A_43 : memref<1x128x128xf32, #tpu.memory_space<vmem>> -> memref<128x128xf32, #tpu.memory_space<vmem>>
    tpu.wait_dma2 semaphore(%arg16 : memref<!tpu.dma_semaphore, #tpu.memory_space<semaphore_mem>>) src(%dma_wait3A_44 : memref<128x128xf32, #tpu.memory_space<vmem>>) dst(%dma_wait3A_40 : memref<128x128xf32, #tpu.memory_space<hbm>>)
    return
  }
}

module attributes {stable_mosaic.version = 14 : i64} {
  func.func @_attn_body(%arg0: i32, %arg1: memref<32x32x128xf32, #tpu.memory_space<vmem>>, %arg2: memref<128x128xf32, #tpu.memory_space<vmem>>, %arg3: memref<128x128xf32, #tpu.memory_space<vmem>>, %arg4: memref<128x128xf32, #tpu.memory_space<vmem>>, %arg5: memref<128x128xf32, #tpu.memory_space<vmem>>, %arg6: memref<8x128xf32, #tpu.memory_space<vmem>>, %arg7: memref<32x1024xf32, #tpu.memory_space<vmem>>, %arg8: memref<1024x32xf32, #tpu.memory_space<vmem>>, %arg9: memref<32x128xf32, #tpu.memory_space<vmem>>) attributes {dimension_semantics = [#tpu.dimension_semantics<arbitrary>], iteration_bounds = array<i64: 33>, scalar_prefetch = 0 : i64, scratch_operands = 0 : i64, tpu.core_type = #tpu.core_type<tc>, window_params = [{transform_indices = @transform_0, window_bounds = array<i64: 32, 32, 128>}, {pipeline_mode = #tpu.pipeline_mode<synchronous>, transform_indices = @transform_1, window_bounds = array<i64: 128, 128>}, {pipeline_mode = #tpu.pipeline_mode<synchronous>, transform_indices = @transform_2, window_bounds = array<i64: 128, 128>}, {pipeline_mode = #tpu.pipeline_mode<synchronous>, transform_indices = @transform_3, window_bounds = array<i64: 128, 128>}, {pipeline_mode = #tpu.pipeline_mode<synchronous>, transform_indices = @transform_4, window_bounds = array<i64: 128, 128>}, {pipeline_mode = #tpu.pipeline_mode<synchronous>, transform_indices = @transform_5, window_bounds = array<i64: 8, 128>}, {pipeline_mode = #tpu.pipeline_mode<synchronous>, transform_indices = @transform_6, window_bounds = array<i64: 32, 1024>}, {pipeline_mode = #tpu.pipeline_mode<synchronous>, transform_indices = @transform_7, window_bounds = array<i64: 1024, 32>}, {transform_indices = @transform_8, window_bounds = array<i64: 32, 128>}]} {
    %get3A = arith.constant 0 : index
    %get3A_0 = arith.constant 0 : index
    %get3A_1 = arith.constant 0 : index
    %get3A_2 = vector.load %arg1[%get3A, %get3A_0, %get3A_1] : memref<32x32x128xf32, #tpu.memory_space<vmem>>, vector<32x32x128xf32>
    %reshape3A = vector.shape_cast %get3A_2 : vector<32x32x128xf32> to vector<1024x128xf32>
    %get3A_3 = arith.constant 0 : index
    %get3A_4 = arith.constant 0 : index
    %get3A_5 = vector.load %arg2[%get3A_3, %get3A_4] : memref<128x128xf32, #tpu.memory_space<vmem>>, vector<128x128xf32>
    %dot_general3A = arith.constant dense<0.000000e+00> : vector<1024x128xf32>
    %dot_general3A_6 = tpu.matmul %reshape3A, %get3A_5, %dot_general3A {dimension_numbers = #tpu.dot_dimension_numbers<[1], [0], [0], [1], [0, 0, 1, 1], [], []>, transpose_lhs_hint = false} : vector<1024x128xf32>, vector<128x128xf32>, vector<1024x128xf32> -> vector<1024x128xf32>
    %get3A_7 = arith.constant 0 : index
    %get3A_8 = arith.constant 0 : index
    %get3A_9 = vector.load %arg6[%get3A_7, %get3A_8] : memref<8x128xf32, #tpu.memory_space<vmem>>, vector<1x128xf32>
    %get3A_10 = vector.shape_cast %get3A_9 : vector<1x128xf32> to vector<128xf32>
    %broadcast_in_dim3A = vector.shape_cast %get3A_10 : vector<128xf32> to vector<1x128xf32>
    %add3A = vector.broadcast %broadcast_in_dim3A : vector<1x128xf32> to vector<1024x128xf32>
    %add3A_11 = arith.addf %dot_general3A_6, %add3A : vector<1024x128xf32>
    %get3A_12 = arith.constant 0 : index
    %get3A_13 = arith.constant 0 : index
    %get3A_14 = vector.load %arg3[%get3A_12, %get3A_13] : memref<128x128xf32, #tpu.memory_space<vmem>>, vector<128x128xf32>
    %dot_general3A_15 = arith.constant dense<0.000000e+00> : vector<1024x128xf32>
    %dot_general3A_16 = tpu.matmul %reshape3A, %get3A_14, %dot_general3A_15 {dimension_numbers = #tpu.dot_dimension_numbers<[1], [0], [0], [1], [0, 0, 1, 1], [], []>, transpose_lhs_hint = false} : vector<1024x128xf32>, vector<128x128xf32>, vector<1024x128xf32> -> vector<1024x128xf32>
    %get3A_17 = arith.constant 1 : index
    %get3A_18 = arith.constant 0 : index
    %get3A_19 = vector.load %arg6[%get3A_17, %get3A_18] : memref<8x128xf32, #tpu.memory_space<vmem>>, vector<1x128xf32>
    %get3A_20 = vector.shape_cast %get3A_19 : vector<1x128xf32> to vector<128xf32>
    %broadcast_in_dim3A_21 = vector.shape_cast %get3A_20 : vector<128xf32> to vector<1x128xf32>
    %add3A_22 = vector.broadcast %broadcast_in_dim3A_21 : vector<1x128xf32> to vector<1024x128xf32>
    %add3A_23 = arith.addf %dot_general3A_16, %add3A_22 : vector<1024x128xf32>
    %get3A_24 = arith.constant 0 : index
    %get3A_25 = arith.constant 0 : index
    %get3A_26 = vector.load %arg4[%get3A_24, %get3A_25] : memref<128x128xf32, #tpu.memory_space<vmem>>, vector<128x128xf32>
    %dot_general3A_27 = arith.constant dense<0.000000e+00> : vector<1024x128xf32>
    %dot_general3A_28 = tpu.matmul %reshape3A, %get3A_26, %dot_general3A_27 {dimension_numbers = #tpu.dot_dimension_numbers<[1], [0], [0], [1], [0, 0, 1, 1], [], []>, transpose_lhs_hint = false} : vector<1024x128xf32>, vector<128x128xf32>, vector<1024x128xf32> -> vector<1024x128xf32>
    %get3A_29 = arith.constant 2 : index
    %get3A_30 = arith.constant 0 : index
    %get3A_31 = vector.load %arg6[%get3A_29, %get3A_30] : memref<8x128xf32, #tpu.memory_space<vmem>>, vector<1x128xf32>
    %get3A_32 = vector.shape_cast %get3A_31 : vector<1x128xf32> to vector<128xf32>
    %broadcast_in_dim3A_33 = vector.shape_cast %get3A_32 : vector<128xf32> to vector<1x128xf32>
    %add3A_34 = vector.broadcast %broadcast_in_dim3A_33 : vector<1x128xf32> to vector<1024x128xf32>
    %add3A_35 = arith.addf %dot_general3A_28, %add3A_34 : vector<1024x128xf32>
    %dot_general3A_36 = arith.constant dense<0.000000e+00> : vector<1024x1024xf32>
    %dot_general3A_37 = tpu.matmul %add3A_23, %add3A_11, %dot_general3A_36 {dimension_numbers = #tpu.dot_dimension_numbers<[1], [1], [0], [0], [0, 0, 1, 0], [], []>, transpose_lhs_hint = false} : vector<1024x128xf32>, vector<1024x128xf32>, vector<1024x1024xf32> -> vector<1024x1024xf32>
    %reshape3A_38 = vector.shape_cast %dot_general3A_37 : vector<1024x1024xf32> to vector<32x32x1024xf32>
    %get3A_39 = arith.constant 0 : index
    %get3A_40 = arith.constant 0 : index
    %get3A_41 = vector.load %arg7[%get3A_39, %get3A_40] : memref<32x1024xf32, #tpu.memory_space<vmem>>, vector<32x1024xf32>
    %broadcast_in_dim3A_42 = vector.shape_cast %get3A_41 : vector<32x1024xf32> to vector<32x1x1024xf32>
    %mul3A = vector.broadcast %broadcast_in_dim3A_42 : vector<32x1x1024xf32> to vector<32x32x1024xf32>
    %mul3A_43 = arith.mulf %reshape3A_38, %mul3A : vector<32x32x1024xf32>
    %reduce_sum3A = arith.constant dense<0.000000e+00> : vector<32x1024xf32>
    %reduce_sum3A_44 = vector.multi_reduction <add>, %mul3A_43, %reduce_sum3A [0] : vector<32x32x1024xf32> to vector<32x1024xf32>
    %reduce_max3A = arith.constant dense<0xFF800000> : vector<1024xf32>
    %reduce_max3A_45 = vector.multi_reduction <maximumf>, %reduce_sum3A_44, %reduce_max3A [0] : vector<32x1024xf32> to vector<1024xf32>
    %broadcast_in_dim3A_46 = vector.shape_cast %reduce_max3A_45 : vector<1024xf32> to vector<1x1024xf32>
    %sub3A = vector.broadcast %broadcast_in_dim3A_46 : vector<1x1024xf32> to vector<32x1024xf32>
    %sub3A_47 = arith.subf %reduce_sum3A_44, %sub3A : vector<32x1024xf32>
    %exp3A = math.exp %sub3A_47 : vector<32x1024xf32>
    %reduce_sum3A_48 = arith.constant dense<0.000000e+00> : vector<1024xf32>
    %reduce_sum3A_49 = vector.multi_reduction <add>, %exp3A, %reduce_sum3A_48 [0] : vector<32x1024xf32> to vector<1024xf32>
    %broadcast_in_dim3A_50 = vector.shape_cast %reduce_sum3A_49 : vector<1024xf32> to vector<1x1024xf32>
    %div3A = vector.broadcast %broadcast_in_dim3A_50 : vector<1x1024xf32> to vector<32x1024xf32>
    %div3A_51 = arith.divf %exp3A, %div3A : vector<32x1024xf32>
    %get3A_52 = arith.constant 0 : index
    %get3A_53 = arith.constant 0 : index
    %get3A_54 = vector.load %arg8[%get3A_52, %get3A_53] : memref<1024x32xf32, #tpu.memory_space<vmem>>, vector<1024x32xf32>
    %dot_general3A_55 = arith.constant dense<0.000000e+00> : vector<32x32xf32>
    %dot_general3A_56 = tpu.matmul %get3A_54, %div3A_51, %dot_general3A_55 {dimension_numbers = #tpu.dot_dimension_numbers<[0], [1], [1], [0], [0, 1, 1, 0], [], []>, transpose_lhs_hint = false} : vector<1024x32xf32>, vector<32x1024xf32>, vector<32x32xf32> -> vector<32x32xf32>
    %concatenate3A = tpu.concatenate %dot_general3A_56, %dot_general3A_56, %dot_general3A_56, %dot_general3A_56, %dot_general3A_56, %dot_general3A_56, %dot_general3A_56, %dot_general3A_56, %dot_general3A_56, %dot_general3A_56, %dot_general3A_56, %dot_general3A_56, %dot_general3A_56, %dot_general3A_56, %dot_general3A_56, %dot_general3A_56, %dot_general3A_56, %dot_general3A_56, %dot_general3A_56, %dot_general3A_56, %dot_general3A_56, %dot_general3A_56, %dot_general3A_56, %dot_general3A_56, %dot_general3A_56, %dot_general3A_56, %dot_general3A_56, %dot_general3A_56, %dot_general3A_56, %dot_general3A_56, %dot_general3A_56, %dot_general3A_56 in 1 : vector<32x32xf32>, vector<32x32xf32>, vector<32x32xf32>, vector<32x32xf32>, vector<32x32xf32>, vector<32x32xf32>, vector<32x32xf32>, vector<32x32xf32>, vector<32x32xf32>, vector<32x32xf32>, vector<32x32xf32>, vector<32x32xf32>, vector<32x32xf32>, vector<32x32xf32>, vector<32x32xf32>, vector<32x32xf32>, vector<32x32xf32>, vector<32x32xf32>, vector<32x32xf32>, vector<32x32xf32>, vector<32x32xf32>, vector<32x32xf32>, vector<32x32xf32>, vector<32x32xf32>, vector<32x32xf32>, vector<32x32xf32>, vector<32x32xf32>, vector<32x32xf32>, vector<32x32xf32>, vector<32x32xf32>, vector<32x32xf32>, vector<32x32xf32> -> vector<32x1024xf32>
    %mul3A_57 = arith.mulf %concatenate3A, %get3A_41 : vector<32x1024xf32>
    %dot_general3A_58 = arith.constant dense<0.000000e+00> : vector<32x128xf32>
    %dot_general3A_59 = tpu.matmul %mul3A_57, %add3A_35, %dot_general3A_58 {dimension_numbers = #tpu.dot_dimension_numbers<[1], [0], [0], [1], [0, 0, 1, 1], [], []>, transpose_lhs_hint = false} : vector<32x1024xf32>, vector<1024x128xf32>, vector<32x128xf32> -> vector<32x128xf32>
    %get3A_60 = arith.constant 0 : index
    %get3A_61 = arith.constant 0 : index
    %get3A_62 = vector.load %arg5[%get3A_60, %get3A_61] : memref<128x128xf32, #tpu.memory_space<vmem>>, vector<128x128xf32>
    %dot_general3A_63 = arith.constant dense<0.000000e+00> : vector<32x128xf32>
    %dot_general3A_64 = tpu.matmul %dot_general3A_59, %get3A_62, %dot_general3A_63 {dimension_numbers = #tpu.dot_dimension_numbers<[1], [0], [0], [1], [0, 0, 1, 1], [], []>, transpose_lhs_hint = false} : vector<32x128xf32>, vector<128x128xf32>, vector<32x128xf32> -> vector<32x128xf32>
    %get3A_65 = arith.constant 3 : index
    %get3A_66 = arith.constant 0 : index
    %get3A_67 = vector.load %arg6[%get3A_65, %get3A_66] : memref<8x128xf32, #tpu.memory_space<vmem>>, vector<1x128xf32>
    %get3A_68 = vector.shape_cast %get3A_67 : vector<1x128xf32> to vector<128xf32>
    %broadcast_in_dim3A_69 = vector.shape_cast %get3A_68 : vector<128xf32> to vector<1x128xf32>
    %add3A_70 = vector.broadcast %broadcast_in_dim3A_69 : vector<1x128xf32> to vector<32x128xf32>
    %add3A_71 = arith.addf %dot_general3A_64, %add3A_70 : vector<32x128xf32>
    %eq3A = arith.constant 32 : i32
    %eq3A_72 = arith.cmpi eq, %arg0, %eq3A : i32
    %jit3A = arith.constant 0.000000e+00 : f32
    %broadcast_in_dim3A_73 = vector.broadcast %jit3A : f32 to vector<32x128xf32>
    %select_n3A = arith.select %eq3A_72, %broadcast_in_dim3A_73, %add3A_71 : vector<32x128xf32>
    %swap3A = arith.constant 0 : index
    %swap3A_74 = arith.constant 0 : index
    %swap3A_75 = vector.load %arg9[%swap3A, %swap3A_74] : memref<32x128xf32, #tpu.memory_space<vmem>>, vector<32x128xf32>
    tpu.vector_store %arg9[%swap3A, %swap3A_74], %select_n3A {strides = array<i32>} : memref<32x128xf32, #tpu.memory_space<vmem>>, vector<32x128xf32>,
    return
  }
  func.func @transform_0(%arg0: i32) -> (i32, i32, i32) {
    %min3A = arith.constant 31 : i32
    %min3A_0 = arith.minsi %arg0, %min3A : i32
    %c0_i32 = arith.constant 0 : i32
    %c0_i32_1 = arith.constant 0 : i32
    %c0_i32_2 = arith.constant 0 : i32
    return %min3A_0, %c0_i32, %c0_i32_1 : i32, i32, i32
  }
  func.func @transform_1(%arg0: i32) -> (i32, i32) {
    %c0_i32 = arith.constant 0 : i32
    %c0_i32_0 = arith.constant 0 : i32
    %c0_i32_1 = arith.constant 0 : i32
    return %c0_i32, %c0_i32_0 : i32, i32
  }
  func.func @transform_2(%arg0: i32) -> (i32, i32) {
    %c0_i32 = arith.constant 0 : i32
    %c0_i32_0 = arith.constant 0 : i32
    %c0_i32_1 = arith.constant 0 : i32
    return %c0_i32, %c0_i32_0 : i32, i32
  }
  func.func @transform_3(%arg0: i32) -> (i32, i32) {
    %c0_i32 = arith.constant 0 : i32
    %c0_i32_0 = arith.constant 0 : i32
    %c0_i32_1 = arith.constant 0 : i32
    return %c0_i32, %c0_i32_0 : i32, i32
  }
  func.func @transform_4(%arg0: i32) -> (i32, i32) {
    %c0_i32 = arith.constant 0 : i32
    %c0_i32_0 = arith.constant 0 : i32
    %c0_i32_1 = arith.constant 0 : i32
    return %c0_i32, %c0_i32_0 : i32, i32
  }
  func.func @transform_5(%arg0: i32) -> (i32, i32) {
    %c0_i32 = arith.constant 0 : i32
    %c0_i32_0 = arith.constant 0 : i32
    %c0_i32_1 = arith.constant 0 : i32
    return %c0_i32, %c0_i32_0 : i32, i32
  }
  func.func @transform_6(%arg0: i32) -> (i32, i32) {
    %c0_i32 = arith.constant 0 : i32
    %c0_i32_0 = arith.constant 0 : i32
    %c0_i32_1 = arith.constant 0 : i32
    return %c0_i32, %c0_i32_0 : i32, i32
  }
  func.func @transform_7(%arg0: i32) -> (i32, i32) {
    %c0_i32 = arith.constant 0 : i32
    %c0_i32_0 = arith.constant 0 : i32
    %c0_i32_1 = arith.constant 0 : i32
    return %c0_i32, %c0_i32_0 : i32, i32
  }
  func.func @transform_8(%arg0: i32) -> (i32, i32) {
    %c0_i32 = arith.constant 0 : i32
    %c0_i32_0 = arith.constant 0 : i32
    return %arg0, %c0_i32 : i32, i32
  }
}

</mosaic_0001>

<sc_bundles>
// kernel: kernel.4.cloned.1.call-start
scs
__scs_entry_jumppad:
0x0: {  	(pc) =	sbr.rel $0x88, $3  }
0x1: {  	(tag) =	ssettag $0x0;
	lr =	simm.s32 $0x1  }
0x2: {  	[smem:$0x3F9A] =	sst lr;
	_ =	strace $0xD0000000  }
0x3: {  	_ = 	snop  }
0x4: {  	_ = 	snop  }
0x5: {  	_ = 	snop  }
0x6: {  	_ = 	snop  }
0x7: {  	_ = 	snop  }
__scs_overlays_trampoline_lowered:
0x8: {  	[smem:$0x3FA9] =	sst s0  }
0x9: {  	[smem:$0x3FAA] =	sst s1  }
0xa: {  	[smem:$0x3FAB] =	sst s2  }
0xb: {  	[smem:$0x3FAC] =	sst s3  }
0xc: {  	[smem:$0x3FAD] =	sst s4  }
0xd: {  	[smem:$0x3FAE] =	sst s5  }
0xe: {  	[smem:$0x3FAF] =	sst s6  }
0xf: {  	[smem:$0x3FB0] =	sst s7  }
0x10: {  	[smem:$0x3FB1] =	sst s8  }
0x11: {  	[smem:$0x3FB2] =	sst s9;
	s0 =	simm.s32 @!p0 $0x0  }
0x12: {  	s1 =	sld [smem:$0x3F98];
	s0 =	simm.s32 @p0 $0x1  }
0x13: {  	[smem:$0x3FB3] =	sst s0;
	s0 =	simm.s32 @!p1 $0x0  }
0x14: {  	s2 =	sld [smem:$0x3F97];
	s0 =	simm.s32 @p1 $0x1  }
0x15: {  	[smem:$0x3FB4] =	sst s0;
	s0 =	simm.s32 @!p2 $0x0  }
0x16: {  	s3 =	sld [smem:$0x3FDB];
	s0 =	simm.s32 @p2 $0x1  }
0x17: {  	s4 =	simm.s32 $0x1BF5;
	[smem:$0x3FB6] =	sst s0  }
0x18: {  	s0 =	sld [smem:$0x3F99];
	_ =	swait.ge [sflag:s4], $0x0  }
0x19: {  	s7 =	sld [smem:$0x3F9A]  }
0x1a: {  	s8 =	sadd.s32 $0xFFFFE003, lr  }
0x1b: {  	s9 =	sadd.s32 $0xFFFFFEF7, lr;
	s5 =	simm.s32 $0xFFFFFFFF;
	p2 =	slt.u32 s8, $0xFFFFF086  }
0x1c: {  	p1 =	slt.u32 s9, $0xF7A;
	s5 =	simm.s32 @!p2 $0x0  }
0x1d: {  	s5 =	simm.s32 @p1 $0x1;
	p0 =	seq.s32 s7, s2  }
0x1e: {  	s7 =	smul.u32 @!p0 $0xF7A, s2;
	p2 =	seq.s32 @!p0 s5, $0x0  }
0x1f: {  	s9 =	smul.u32 $0xF7A, s1;
	s8 =	simm.s32 @!p0 $0x1BF5;
	p2 =	por !p2, p0  }
0x20: {  	[sflag:s8] =	ssyncset.s32 @!p0 $0xFFFFF086;
	s6 =	sadd.s32 @!p0 s3, s7;
	s7 =	simm.s32 @!p0 $0x108  }
0x21: {  	s3 =	sadd.s32 s3, s9;
	s6 =	sadd.s32 @!p0 $0x88, s6;
	s7 =	simm.s32 @p2 $0x1082  }
0x22: {  	[simem:s7], [sflag:s8] =	dma.local @!p0 [hbm:s6], $0xF7A  }
0x23: {  	s9 =	sor.u32 $0xD0000000, s2;
	s6 =	simm.s32 $0x108;
	_ =	swait.ge @!p0 [sflag:s8], $0x0  }
0x24: {  	s3 =	sadd.s32 $0x88, s3;
	s6 =	simm.s32 @!p1 $0x1082;
	[sflag:s4] =	ssyncset.s32 $0xFFFFF086  }
0x25: {  	[simem:s6], [sflag:s4] =	dma.local [hbm:s3], $0xF7A  }
0x26: {  	[smem:$0x3F9A] =	sst s1;
	(tag) =	ssettag s2;
	_ =	strace s9  }
0x27: {  	s1 =	sld [smem:$0x3FAA]  }
0x28: {  	s2 =	sld [smem:$0x3FAB]  }
0x29: {  	s4 =	sld [smem:$0x3FAD]  }
0x2a: {  	p0 =	seq.s32 s5, $0x0;
	s5 =	sld [smem:$0x3FAE]  }
0x2b: {  	s6 =	sld [smem:$0x3FAF]  }
0x2c: {  	s7 =	sld [smem:$0x3FB0]  }
0x2d: {  	s3 =	simm.s32 $0x108;
	s8 =	sld [smem:$0x3FB1]  }
0x2e: {  	s3 =	simm.s32 @!p0 $0x1082;
	s9 =	sld [smem:$0x3FB2]  }
0x2f: {  	lr =	sadd.s32 s0, s3;
	s0 =	sld [smem:$0x3FA9]  }
0x30: {  	s3 =	sld [smem:$0x3FAC]  }
0x31: {  	[smem:$0x3FB5] =	sst s10  }
0x32: {  	s10 =	sld [smem:$0x3FB3];
	_ =	sdelay $0x3  }
0x33: {  	p0 =	seq.s32 s10, $0x1;
	s10 =	sld [smem:$0x3FB5];
	_ =	sdelay $0x3  }
0x34: {  	[smem:$0x3FB5] =	sst s10  }
0x35: {  	s10 =	sld [smem:$0x3FB4];
	_ =	sdelay $0x3  }
0x36: {  	p1 =	seq.s32 s10, $0x1;
	s10 =	sld [smem:$0x3FB5];
	_ =	sdelay $0x3  }
0x37: {  	[smem:$0x3FB5] =	sst s10  }
0x38: {  	s10 =	sld [smem:$0x3FB6]  }
0x39: {  	_ = 	snop;
	(pc) =	sbr.ind lr, $3  }
0x3a: {  	_ = 	snop  }
0x3b: {  	_ = 	snop  }
0x3c: {  	p2 =	seq.s32 s10, $0x1;
	s10 =	sld [smem:$0x3FB5]  }
0x3d: {  	_ =	shalt  }
0x3e: {  	_ =	shalt  }
0x3f: {  	_ =	shalt  }
0x40: {  	_ =	shalt  }
0x41: {  	_ =	shalt  }
0x42: {  	_ =	shalt  }
0x43: {  	_ =	shalt  }
0x44: {  	_ =	shalt  }
0x45: {  	_ =	shalt  }
0x46: {  	_ =	shalt  }
0x47: {  	_ =	shalt  }
0x48: {  	_ =	shalt  }
0x49: {  	_ =	shalt  }
0x4a: {  	_ =	shalt  }
0x4b: {  	_ =	shalt  }
0x4c: {  	_ =	shalt  }
0x4d: {  	_ =	shalt  }
0x4e: {  	_ =	shalt  }
0x4f: {  	_ =	shalt  }
0x50: {  	_ =	shalt  }
0x51: {  	_ =	shalt  }
0x52: {  	_ =	shalt  }
0x53: {  	_ =	shalt  }
0x54: {  	_ =	shalt  }
0x55: {  	_ =	shalt  }
0x56: {  	_ =	shalt  }
0x57: {  	_ =	shalt  }
0x58: {  	_ =	shalt  }
0x59: {  	_ =	shalt  }
0x5a: {  	_ =	shalt  }
0x5b: {  	_ =	shalt  }
0x5c: {  	_ =	shalt  }
0x5d: {  	_ =	shalt  }
0x5e: {  	_ =	shalt  }
0x5f: {  	_ =	shalt  }
0x60: {  	_ =	shalt  }
0x61: {  	_ =	shalt  }
0x62: {  	_ =	shalt  }
0x63: {  	_ =	shalt  }
0x64: {  	_ =	shalt  }
0x65: {  	_ =	shalt  }
0x66: {  	_ =	shalt  }
0x67: {  	_ =	shalt  }
0x68: {  	_ =	shalt  }
0x69: {  	_ =	shalt  }
0x6a: {  	_ =	shalt  }
0x6b: {  	_ =	shalt  }
0x6c: {  	_ =	shalt  }
0x6d: {  	_ =	shalt  }
0x6e: {  	_ =	shalt  }
0x6f: {  	_ =	shalt  }
0x70: {  	_ =	shalt  }
0x71: {  	_ =	shalt  }
0x72: {  	_ =	shalt  }
0x73: {  	_ =	shalt  }
0x74: {  	_ =	shalt  }
0x75: {  	_ =	shalt  }
0x76: {  	_ =	shalt  }
0x77: {  	_ =	shalt  }
0x78: {  	_ =	shalt  }
0x79: {  	_ =	shalt  }
0x7a: {  	_ =	shalt  }
0x7b: {  	_ =	shalt  }
0x7c: {  	_ =	shalt  }
0x7d: {  	_ =	shalt  }
0x7e: {  	_ =	shalt  }
0x7f: {  	_ =	shalt  }
0x80: {  	_ =	shalt  }
0x81: {  	_ =	shalt  }
0x82: {  	_ =	shalt  }
0x83: {  	_ =	shalt  }
0x84: {  	_ =	shalt  }
0x85: {  	_ =	shalt  }
0x86: {  	_ =	shalt  }
0x87: {  	_ =	shalt  }
.Lfunc_end0:
.L_simem_size_0:
called_computation_lowered:
.L_overlay_start_0:
0x88: {  	s2 =	sld [smem:$0x3FD9]  }
0x89: {  	s3 =	sld [smem:$0x3FFE];
	_ =	sdelay $0x1  }
0x8a: {  	s1 =	srdreg.scid  }
0x8b: {  	s0 =	sand.u32 $0x1, s1  }
0x8c: {  	s17 =	sshll.u32 s0, $0xA;
	s2 =	sadd.s32 s3, s2  }
0x8d: {  	s2 =	sadd.s32 s2, s17  }
0x8e: {  	[smem:$0x3FC1] =	sst s2  }
0x8f: {  	_ = 	snop  }
0x90: {  	s2 =	sld [smem:$0x3FC9]  }
0x91: {  	s18 =	sld [smem:$0x3FC7]  }
0x92: {  	s4 =	sld [smem:$0x3FD0];
	(tm) =	ssettm $0x1  }
0x93: {  	s5 =	sld [smem:$0x3FFB];
	_ =	sdelay $0x3  }
0x94: {  	_ =	strace s5  }
0x95: {  	s5 =	sld [smem:$0x3FFC];
	_ =	sdelay $0x3  }
0x96: {  	_ =	strace s5  }
0x97: {  	s5 =	sld [smem:$0x3FFD];
	_ =	sdelay $0x3  }
0x98: {  	_ =	strace s5  }
0x99: {  	_ =	strace $0x8FFFFFFF  }
0x9a: {  	s19 =	sld [smem:$0x3FDB];
	_ =	sdelay $0x1  }
0x9b: {  	s6 =	simm.s32 $_scs_section_size  }
0x9c: {  	s7 =	simm.s32 $_size__tile_overlayer_lowered;
	s8 =	simm.s32 $_tile_overlayer_lowered  }
0x9d: {  	s22 =	simm.s32 $0x1BFF;
	s21 =	sshll.u32 s8, $0x1;
	s5 =	sadd.s32 s6, s19  }
0x9e: {  	s9 =	simm.s32 $0x0;
	s20 =	sshll.u32 s7, $0x1;
	s7 =	sadd.s32 s21, s5  }
0x9f: {  	[timem:s9], [sflag:s22] =	dma.local [hbm:s7], s20  }
0xa0: {  	_ =	swait.ge [sflag:s22], s20  }
0xa1: {  	s6 =	ssub.s32 $0x0, s20;
	[sflag:s22] =	ssyncset.done $0x0  }
0xa2: {  	[sflag:s22] =	ssyncadd.s32 s6;
	_ =	sdelay $0x1  }
0xa3: {  	s23 =	simm.s32 $0x1B8B  }
0xa4: {  	_ =	swait.ge [sflag:s23], $0x1  }
0xa5: {  	[sflag:s23] =	ssyncset.done $0x0  }
0xa6: {  	s25 =	simm.s32 $0x1B8E;
	s24 =	sld [smem:$0x3FFE];
	[sflag:s23] =	ssyncadd.s32 $0xFFFFFFFF  }
0xa7: {  	s26 =	simm.s32 $execute0_lowered;
	[smem:$0x3FD2] =	sst s25  }
0xa8: {  	s7 =	sshll.u32 s26, $0x1;
	_ =	strace $0x80000046;
	[dreg:$0x1] =	wrdreg $0xFFFFFFFF  }
0xa9: {  	s28 =	simm.s32 $_size_execute0_lowered;
	s5 =	sadd.s32 s5, s7;
	[dreg:$0x0] =	wrdreg $0x0  }
0xaa: {  	s7 =	sshll.u32 s28, $0x1;
	[dreg:$0x2] =	wrdreg s5  }
0xab: {  	[dreg:$0x3] =	wrdreg s7  }
0xac: {  	[dreg:$0x4] =	wrdreg $0xC0  }
0xad: {  	_ =	task [dreg:s9], $0x5FFFF  }
0xae: {  	[dreg:$0x1] =	wrdreg $0xFFFFFFFF  }
0xaf: {  	[dreg:$0x0] =	wrdreg $0x60  }
0xb0: {  	[dreg:$0x2] =	wrdreg s24  }
0xb1: {  	[dreg:$0x3] =	wrdreg s18  }
0xb2: {  	[dreg:$0x4] =	wrdreg s2  }
0xb3: {  	[dreg:$0x5] =	wrdreg s4  }
0xb4: {  	[dreg:$0x6] =	wrdreg $0x9  }
0xb5: {  	_ =	task.clear_ibuf [dreg:s9], $0x7FFFF;
	_ =	strace $0x90000046  }
0xb6: {  	s29 =	simm.s32 $0x9;
	_ =	strace $0x80000048  }
0xb7: {  	_ =	swait.ge [sflag:s29], $0x1  }
0xb8: {  	[sflag:s29] =	ssyncadd.s32 $0xFFFFFFFF  }
0xb9: {  	_ =	strace $0x90000048  }
0xba: {  	_ =	sfence  }
0xbb: {  	s30 =	sld [smem:$0x0];
	_ =	sdelay $0x2  }
0xbc: {  	s31 =	sshll.u32 s1, $0xD;
	s1 =	sshrl.u32 s1, $0x2  }
0xbd: {  	s3 =	sand.u32 $0x4000, s31;
	s1 =	sadd.s32 s1, s30  }
0xbe: {  	s0 =	sor.u32 s3, s0;
	s1 =	sshll.u32 s1, $0x11  }
0xbf: {  	s0 =	sor.u32 s1, s0  }
0xc0: {  	s0 =	sadd.s32 $0x8F2B, s0  }
0xc1: {  	[sflag:s0] =	ssyncadd.remote.s32 $0x1  }
0xc2: {  	_ =	sfence.sel $0xFFFF  }
0xc3: {  	[dreg:$0x0] =	wrdreg $0xFFFFFFFF;
	(pc) =	sbr.abs _section_cstart, $3  }
0xc4: {  	[dreg:$0x1] =	wrdreg $0xFFFFFFFF  }
0xc5: {  	_ =	task.clear_ibuf [dreg:s9], $0x2FFFF;
	_ =	strace $0x9FFFFFFF  }
0xc6: {  	(tm) =	ssettm $0x7FFFFFFF  }
0xc7: {  	_ =	shalt  }
tec
execute0_lowered:
.L_overlay_start_1:
0x0: {  	(tag) =	ssettag $0x1  }
0x1: {  	s7 =	rddreg [dreg:$0x0]  }
0x2: {  	s1 =	rddreg [dreg:$0x1]  }
0x3: {  	s2 =	rddreg [dreg:$0x2]  }
0x4: {  	s4 =	rddreg [dreg:$0x3]  }
0x5: {  	s0 =	rddreg [dreg:$0x4];
	s6 =	srdreg.scid  }
0x6: {  	s5 =	simm.s32 $0x0;
	s3 =	stileid.u32;
	s11 =	simm.s32 $0x1  }
0x7: {  	s12 =	simm.s32 $0x80;
	s13 =	simm.s32 $0x100;
	s14 =	simm.s32 $0x8100  }
0x8: {  	s15 =	simm.s32 $0x3;
	s16 =	simm.s32 $0x5;
	s17 =	simm.s32 $0x2  }
0x9: {  	s18 =	simm.s32 $0x4100;
	s19 =	simm.s32 $0xC100;
	s20 =	simm.s32 $0x4  }
0xa: {  	s21 =	simm.s32 $0x6;
	s22 =	simm.s32 $0x7;
	s23 =	simm.s32 $0x8  }
0xb: {  	s24 =	simm.s32 $0x0;
	s6 =	sand.u32 $0x1, s6;
	[smem:$0x7FF] =	sst s5  }
0xc: {  	s8 =	sshll.u32 s3, $0xE;
	s9 =	sshll.u32 s6, $0xD;
	s10 =	ssub.s32 $0x2, s6  }
0xd: {  	s7 =	sadd.s32 $0x1000, s7;
	s6 =	sor.u32 s9, s8;
	s31 =	sshrl.u32 s10, $0x1  }
0xe: {  	_ =	strace $0x80000047;
	s9 =	sshrl.u32 s6, $0x3;
	s10 =	ssub.s32 s10, s31  }
0xf: {  	s8 =	sadd.s32 s1, s9;
	s9 =	sadd.s32 $0x10, s1;
	s10 =	smax.u32 s10, $0x1  }
.LBB2_1:
0x10: {  	[tilespmem:s5], [sflag:$0x1] =	stream.linear.gather [hbm4b:s8+s5], $0x80, $0x38;
	[tilespmem:$0x10100] =	vst v63  }
0x11: {  	s25 =	simm.s32 $0x0  }
.LBB2_2:
0x12: {  	p0 =	seq.s32 s25, $0x0  }
0x13: {  	s26 =	simm.s32 @!p0 $0x7  }
0x14: {  	_ =	swait.ge @!p0 [sflag:s26], $0x4000  }
0x15: {  	[sflag:s26] =	ssyncset.done @!p0 $0x0  }
0x16: {  	[sflag:s26] =	ssyncadd.s32 @!p0 $0xFFFFC000  }
0x17: {  	_ =	swait.ge [sflag:s11], $0x80  }
0x18: {  	[sflag:s11] =	ssyncset.done $0x0  }
0x19: {  	[sflag:s11] =	ssyncadd.s32 $0xFFFFFF80  }
0x1a: {  	v0 =	vld [tilespmem:$0x0]  }
0x1b: {  	v1 =	vld [tilespmem:$0x10]  }
0x1c: {  	v2 =	vld [tilespmem:$0x20]  }
0x1d: {  	v3 =	vld [tilespmem:$0x30]  }
0x1e: {  	v4 =	vld [tilespmem:$0x40]  }
0x1f: {  	v5 =	vld [tilespmem:$0x50];
	vm0 =	veq.s32 v0, $0x0;
	v0 =	vadd.s32 $0xFFFFFFFF, v0  }
0x20: {  	v6 =	vld [tilespmem:$0x60];
	vm9 =	veq.s32 v1, $0x0;
	v1 =	vadd.s32 $0xFFFFFFFF, v1;
	v0 =	vsel vm0, $0x41F, v0  }
0x21: {  	vm10 =	veq.s32 v2, $0x0;
	[tilespmem:$0x0] =	vst v0;
	v0 =	vsel vm9, $0x41F, v1;
	v1 =	vadd.s32 $0xFFFFFFFF, v2;
	v2 =	vld [tilespmem:$0x70]  }
0x22: {  	vm11 =	veq.s32 v3, $0x0;
	[tilespmem:$0x10] =	vst v0;
	v0 =	vsel vm10, $0x41F, v1;
	v1 =	vadd.s32 $0xFFFFFFFF, v3  }
0x23: {  	vm12 =	veq.s32 v4, $0x0;
	[tilespmem:$0x20] =	vst v0;
	v0 =	vsel vm11, $0x41F, v1;
	v1 =	vadd.s32 $0xFFFFFFFF, v4  }
0x24: {  	vm13 =	veq.s32 v5, $0x0;
	[tilespmem:$0x30] =	vst v0;
	v0 =	vsel vm12, $0x41F, v1;
	v1 =	vadd.s32 $0xFFFFFFFF, v5  }
0x25: {  	vm14 =	veq.s32 v6, $0x0;
	[tilespmem:$0x40] =	vst v0;
	v0 =	vsel vm13, $0x41F, v1;
	v1 =	vadd.s32 $0xFFFFFFFF, v6  }
0x26: {  	s26 =	sshll.u32 s25, $0x8;
	[tilespmem:$0x50] =	vst v0;
	v0 =	vsel vm14, $0x41F, v1;
	vm15 =	veq.s32 v2, $0x0;
	v1 =	vadd.s32 $0xFFFFFFFF, v2  }
0x27: {  	s26 =	sor.u32 s6, s26;
	[tilespmem:$0x60] =	vst v0;
	v0 =	vsel vm15, $0x41F, v1  }
0x28: {  	s29 =	simm.s32 $0x0;
	s28 =	sshll.u32 s26, $0x4;
	[tilespmem:$0x70] =	vst v0  }
0x29: {  	[tilespmem:s13], [sflag:$0x3] =	stream.indirect.gather [hbm4b:s7+s12], $0x80, s29, s12, $0xb8;
	[tilespmem:$0x10100] =	vst v63  }
0x2a: {  	s30 =	sadd.s32 s2, s28  }
0x2b: {  	[tilespmem:s14], [sflag:$0x5] =	stream.linear.gather [hbm4b:s30+s29], $0x4000, $0x38;
	[tilespmem:$0x10100] =	vst v63  }
0x2c: {  	s30 =	sshrl.u32 s26, $0x3  }
0x2d: {  	s30 =	sadd.s32 s30, s9  }
0x2e: {  	[tilespmem:s12], [sflag:$0x2] =	stream.linear.gather [hbm4b:s30+s29], $0x80, $0x38;
	[tilespmem:$0x10100] =	vst v63  }
0x2f: {  	_ =	swait.ge [sflag:s15], $0x4000  }
0x30: {  	[sflag:s15] =	ssyncset.done $0x0  }
0x31: {  	[sflag:s15] =	ssyncadd.s32 $0xFFFFC000  }
0x32: {  	_ =	swait.ge [sflag:s16], $0x4000  }
0x33: {  	[sflag:s16] =	ssyncset.done $0x0  }
0x34: {  	s29 =	simm.s32 $0x0;
	[sflag:s16] =	ssyncadd.s32 $0xFFFFC000  }
0x35: {  	v0 =	vld [tilespmem:s29+$0x81F0]  }
0x36: {  	v1 =	vld [tilespmem:s29+$0x8100]  }
0x37: {  	v2 =	vld [tilespmem:s29+$0x8110]  }
0x38: {  	v3 =	vld [tilespmem:s29+$0x8120]  }
0x39: {  	v61 =	vld [tilespmem:s29+$0x8130]  }
0x3a: {  	v62 =	vld [tilespmem:s29+$0x8140]  }
0x3b: {  	v63 =	vld [tilespmem:s29+$0x8150]  }
0x3c: {  	v7 =	vld [tilespmem:s29+$0x8160]  }
0x3d: {  	v8 =	vld [tilespmem:s29+$0x8170]  }
0x3e: {  	v9 =	vld [tilespmem:s29+$0x8180]  }
0x3f: {  	v10 =	vld [tilespmem:s29+$0x8190]  }
0x40: {  	v11 =	vld [tilespmem:s29+$0x81A0]  }
0x41: {  	v12 =	vld [tilespmem:s29+$0x81B0]  }
0x42: {  	v13 =	vld [tilespmem:s29+$0x81C0]  }
0x43: {  	v14 =	vld [tilespmem:s29+$0x81D0]  }
0x44: {  	[tilespmem:s29+$0x1F0] =	vst.add.f32.msk $0xffff, v0  }
0x45: {  	v0 =	vld [tilespmem:s29+$0x81E0]  }
0x46: {  	[tilespmem:s29+$0x100] =	vst.add.f32.msk $0xffff, v1  }
0x47: {  	[tilespmem:s29+$0x110] =	vst.add.f32.msk $0xffff, v2  }
0x48: {  	[tilespmem:s29+$0x120] =	vst.add.f32.msk $0xffff, v3  }
0x49: {  	[tilespmem:s29+$0x130] =	vst.add.f32.msk $0xffff, v61  }
0x4a: {  	[tilespmem:s29+$0x140] =	vst.add.f32.msk $0xffff, v62  }
0x4b: {  	[tilespmem:s29+$0x150] =	vst.add.f32.msk $0xffff, v63  }
0x4c: {  	[tilespmem:s29+$0x160] =	vst.add.f32.msk $0xffff, v7  }
0x4d: {  	[tilespmem:s29+$0x170] =	vst.add.f32.msk $0xffff, v8  }
0x4e: {  	[tilespmem:s29+$0x180] =	vst.add.f32.msk $0xffff, v9  }
0x4f: {  	[tilespmem:s29+$0x190] =	vst.add.f32.msk $0xffff, v10  }
0x50: {  	[tilespmem:s29+$0x1A0] =	vst.add.f32.msk $0xffff, v11  }
0x51: {  	[tilespmem:s29+$0x1B0] =	vst.add.f32.msk $0xffff, v12  }
0x52: {  	[tilespmem:s29+$0x1C0] =	vst.add.f32.msk $0xffff, v13  }
0x53: {  	s31 =	simm.s32 $0x400;
	s30 =	simm.s32 $0x0;
	[tilespmem:s29+$0x1D0] =	vst.add.f32.msk $0xffff, v14  }
.LBB2_3:
0x54: {  	s30 =	sadd.s32 $0x2, s30;
	[tilespmem:s29+$0x1E0] =	vst.add.f32.msk $0xffff, v0;
	s29 =	sshra.s32 s31, $0x2  }
0x55: {  	v0 =	vld [tilespmem:s29+$0x81F0];
	p1 =	slt.u32 s30, $0x7E  }
0x56: {  	v1 =	vld [tilespmem:s29+$0x8100]  }
0x57: {  	v2 =	vld [tilespmem:s29+$0x8110]  }
0x58: {  	v3 =	vld [tilespmem:s29+$0x8120]  }
0x59: {  	v4 =	vld [tilespmem:s29+$0x8130]  }
0x5a: {  	[tilespmem:s29+$0x1F0] =	vst.add.f32.msk $0xffff, v0  }
0x5b: {  	v5 =	vld [tilespmem:s29+$0x8140]  }
0x5c: {  	v6 =	vld [tilespmem:s29+$0x8150]  }
0x5d: {  	v7 =	vld [tilespmem:s29+$0x8160]  }
0x5e: {  	v8 =	vld [tilespmem:s29+$0x8170]  }
0x5f: {  	v9 =	vld [tilespmem:s29+$0x8180]  }
0x60: {  	v10 =	vld [tilespmem:s29+$0x8190]  }
0x61: {  	v11 =	vld [tilespmem:s29+$0x81A0]  }
0x62: {  	v12 =	vld [tilespmem:s29+$0x81B0]  }
0x63: {  	v13 =	vld [tilespmem:s29+$0x81C0]  }
0x64: {  	v14 =	vld [tilespmem:s29+$0x81D0]  }
0x65: {  	v0 =	vld [tilespmem:s29+$0x81E0]  }
0x66: {  	[tilespmem:s29+$0x100] =	vst.add.f32.msk $0xffff, v1  }
0x67: {  	[tilespmem:s29+$0x110] =	vst.add.f32.msk $0xffff, v2  }
0x68: {  	[tilespmem:s29+$0x120] =	vst.add.f32.msk $0xffff, v3  }
0x69: {  	[tilespmem:s29+$0x130] =	vst.add.f32.msk $0xffff, v4  }
0x6a: {  	[tilespmem:s29+$0x140] =	vst.add.f32.msk $0xffff, v5  }
0x6b: {  	[tilespmem:s29+$0x150] =	vst.add.f32.msk $0xffff, v6  }
0x6c: {  	[tilespmem:s29+$0x160] =	vst.add.f32.msk $0xffff, v7  }
0x6d: {  	[tilespmem:s29+$0x170] =	vst.add.f32.msk $0xffff, v8  }
0x6e: {  	[tilespmem:s29+$0x180] =	vst.add.f32.msk $0xffff, v9  }
.Ltmp0:
0x6f: {  	[tilespmem:s29+$0x190] =	vst.add.f32.msk $0xffff, v10;
	(pc) =	sbr.rel @p1 .LBB2_3-.Ltmp0, $4  }
0x70: {  	[tilespmem:s29+$0x1A0] =	vst.add.f32.msk $0xffff, v11  }
0x71: {  	[tilespmem:s29+$0x1B0] =	vst.add.f32.msk $0xffff, v12  }
0x72: {  	[tilespmem:s29+$0x1C0] =	vst.add.f32.msk $0xffff, v13  }
0x73: {  	s31 =	sadd.s32 $0x400, s31;
	[tilespmem:s29+$0x1D0] =	vst.add.f32.msk $0xffff, v14  }
0x74: {  	[tilespmem:s29+$0x1E0] =	vst.add.f32.msk $0xffff, v0;
	s29 =	sadd.s32 s4, s28  }
0x75: {  	[hbm4b:s29+s5] =	stream.linear.scatter [tilespmem:s13], [sflag:$0x7], $0x4000, $0x38;
	[tilespmem:$0x10100] =	vst v63  }
0x76: {  	s29 =	simm.s32 @!p0 $0x8  }
0x77: {  	_ =	swait.ge @!p0 [sflag:s29], $0x4000  }
0x78: {  	[sflag:s29] =	ssyncset.done @!p0 $0x0  }
0x79: {  	[sflag:s29] =	ssyncadd.s32 @!p0 $0xFFFFC000  }
0x7a: {  	_ =	swait.ge [sflag:s17], $0x80  }
0x7b: {  	[sflag:s17] =	ssyncset.done $0x0  }
0x7c: {  	[sflag:s17] =	ssyncadd.s32 $0xFFFFFF80  }
0x7d: {  	v0 =	vld [tilespmem:$0x80]  }
0x7e: {  	v1 =	vld [tilespmem:$0x90]  }
0x7f: {  	v2 =	vld [tilespmem:$0xA0]  }
0x80: {  	v3 =	vld [tilespmem:$0xB0]  }
0x81: {  	v4 =	vld [tilespmem:$0xC0]  }
0x82: {  	v5 =	vld [tilespmem:$0xD0];
	vm0 =	veq.s32 v0, $0x0;
	v0 =	vadd.s32 $0xFFFFFFFF, v0  }
0x83: {  	v6 =	vld [tilespmem:$0xE0];
	vm9 =	veq.s32 v1, $0x0;
	v1 =	vadd.s32 $0xFFFFFFFF, v1;
	v0 =	vsel vm0, $0x41F, v0  }
0x84: {  	vm10 =	veq.s32 v2, $0x0;
	[tilespmem:$0x80] =	vst v0;
	v0 =	vsel vm9, $0x41F, v1;
	v1 =	vadd.s32 $0xFFFFFFFF, v2;
	v2 =	vld [tilespmem:$0xF0]  }
0x85: {  	vm11 =	veq.s32 v3, $0x0;
	[tilespmem:$0x90] =	vst v0;
	v0 =	vsel vm10, $0x41F, v1;
	v1 =	vadd.s32 $0xFFFFFFFF, v3  }
0x86: {  	vm12 =	veq.s32 v4, $0x0;
	[tilespmem:$0xA0] =	vst v0;
	v0 =	vsel vm11, $0x41F, v1;
	v1 =	vadd.s32 $0xFFFFFFFF, v4  }
0x87: {  	vm13 =	veq.s32 v5, $0x0;
	[tilespmem:$0xB0] =	vst v0;
	v0 =	vsel vm12, $0x41F, v1;
	v1 =	vadd.s32 $0xFFFFFFFF, v5  }
0x88: {  	vm14 =	veq.s32 v6, $0x0;
	[tilespmem:$0xC0] =	vst v0;
	v0 =	vsel vm13, $0x41F, v1;
	v1 =	vadd.s32 $0xFFFFFFFF, v6  }
0x89: {  	[tilespmem:$0xD0] =	vst v0;
	v0 =	vsel vm14, $0x41F, v1;
	vm15 =	veq.s32 v2, $0x0;
	v1 =	vadd.s32 $0xFFFFFFFF, v2  }
0x8a: {  	p0 =	seq.s32 s25, $0x1F;
	[tilespmem:$0xE0] =	vst v0;
	v0 =	vsel vm15, $0x41F, v1  }
0x8b: {  	s28 =	sor.u32 $0x800, s28;
	s26 =	sshrl.u32 @!p0 s26, $0x3;
	[tilespmem:$0xF0] =	vst v0  }
0x8c: {  	[tilespmem:s18], [sflag:$0x4] =	stream.indirect.gather [hbm4b:s7+s12], $0x80, s12, s12, $0xb8;
	[tilespmem:$0x10100] =	vst v63  }
0x8d: {  	s29 =	sadd.s32 s2, s28;
	s26 =	sadd.s32 @!p0 s1, s26  }
0x8e: {  	[tilespmem:s19], [sflag:$0x6] =	stream.linear.gather [hbm4b:s29+s5], $0x4000, $0x38;
	[tilespmem:$0x10100] =	vst v63  }
0x8f: {  	s26 =	sadd.s32 @!p0 $0x20, s26;
	s29 =	simm.s32 @!p0 $0x0  }
0x90: {  	[tilespmem:s29], [sflag:$0x1] =	stream.linear.gather @!p0 [hbm4b:s26+s29], $0x80, $0x38;
	[tilespmem:$0x10100] =	vst v63  }
0x91: {  	_ =	swait.ge [sflag:s20], $0x4000  }
0x92: {  	[sflag:s20] =	ssyncset.done $0x0  }
0x93: {  	[sflag:s20] =	ssyncadd.s32 $0xFFFFC000  }
0x94: {  	_ =	swait.ge [sflag:s21], $0x4000  }
0x95: {  	[sflag:s21] =	ssyncset.done $0x0  }
0x96: {  	s26 =	simm.s32 $0x0;
	[sflag:s21] =	ssyncadd.s32 $0xFFFFC000  }
0x97: {  	v0 =	vld [tilespmem:s26+$0xC1F0]  }
0x98: {  	v1 =	vld [tilespmem:s26+$0xC100]  }
0x99: {  	v2 =	vld [tilespmem:s26+$0xC110]  }
0x9a: {  	v3 =	vld [tilespmem:s26+$0xC120]  }
0x9b: {  	v61 =	vld [tilespmem:s26+$0xC130]  }
0x9c: {  	v62 =	vld [tilespmem:s26+$0xC140]  }
0x9d: {  	v63 =	vld [tilespmem:s26+$0xC150]  }
0x9e: {  	v7 =	vld [tilespmem:s26+$0xC160]  }
0x9f: {  	v8 =	vld [tilespmem:s26+$0xC170]  }
0xa0: {  	v9 =	vld [tilespmem:s26+$0xC180]  }
0xa1: {  	v10 =	vld [tilespmem:s26+$0xC190]  }
0xa2: {  	v11 =	vld [tilespmem:s26+$0xC1A0]  }
0xa3: {  	v12 =	vld [tilespmem:s26+$0xC1B0]  }
0xa4: {  	v13 =	vld [tilespmem:s26+$0xC1C0]  }
0xa5: {  	v14 =	vld [tilespmem:s26+$0xC1D0]  }
0xa6: {  	[tilespmem:s26+$0x41F0] =	vst.add.f32.msk $0xffff, v0  }
0xa7: {  	v0 =	vld [tilespmem:s26+$0xC1E0]  }
0xa8: {  	[tilespmem:s26+$0x4100] =	vst.add.f32.msk $0xffff, v1  }
0xa9: {  	[tilespmem:s26+$0x4110] =	vst.add.f32.msk $0xffff, v2  }
0xaa: {  	[tilespmem:s26+$0x4120] =	vst.add.f32.msk $0xffff, v3  }
0xab: {  	[tilespmem:s26+$0x4130] =	vst.add.f32.msk $0xffff, v61  }
0xac: {  	[tilespmem:s26+$0x4140] =	vst.add.f32.msk $0xffff, v62  }
0xad: {  	[tilespmem:s26+$0x4150] =	vst.add.f32.msk $0xffff, v63  }
0xae: {  	[tilespmem:s26+$0x4160] =	vst.add.f32.msk $0xffff, v7  }
0xaf: {  	[tilespmem:s26+$0x4170] =	vst.add.f32.msk $0xffff, v8  }
0xb0: {  	[tilespmem:s26+$0x4180] =	vst.add.f32.msk $0xffff, v9  }
0xb1: {  	[tilespmem:s26+$0x4190] =	vst.add.f32.msk $0xffff, v10  }
0xb2: {  	[tilespmem:s26+$0x41A0] =	vst.add.f32.msk $0xffff, v11  }
0xb3: {  	[tilespmem:s26+$0x41B0] =	vst.add.f32.msk $0xffff, v12  }
0xb4: {  	[tilespmem:s26+$0x41C0] =	vst.add.f32.msk $0xffff, v13  }
0xb5: {  	s30 =	simm.s32 $0x400;
	s29 =	simm.s32 $0x0;
	[tilespmem:s26+$0x41D0] =	vst.add.f32.msk $0xffff, v14  }
.LBB2_5:
0xb6: {  	s29 =	sadd.s32 $0x2, s29;
	[tilespmem:s26+$0x41E0] =	vst.add.f32.msk $0xffff, v0;
	s26 =	sshra.s32 s30, $0x2  }
0xb7: {  	v0 =	vld [tilespmem:s26+$0xC1F0];
	p0 =	slt.u32 s29, $0x7E  }
0xb8: {  	v1 =	vld [tilespmem:s26+$0xC100]  }
0xb9: {  	v2 =	vld [tilespmem:s26+$0xC110]  }
0xba: {  	v3 =	vld [tilespmem:s26+$0xC120]  }
0xbb: {  	v4 =	vld [tilespmem:s26+$0xC130]  }
0xbc: {  	[tilespmem:s26+$0x41F0] =	vst.add.f32.msk $0xffff, v0  }
0xbd: {  	v5 =	vld [tilespmem:s26+$0xC140]  }
0xbe: {  	v6 =	vld [tilespmem:s26+$0xC150]  }
0xbf: {  	v7 =	vld [tilespmem:s26+$0xC160]  }
0xc0: {  	v8 =	vld [tilespmem:s26+$0xC170]  }
0xc1: {  	v9 =	vld [tilespmem:s26+$0xC180]  }
0xc2: {  	v10 =	vld [tilespmem:s26+$0xC190]  }
0xc3: {  	v11 =	vld [tilespmem:s26+$0xC1A0]  }
0xc4: {  	v12 =	vld [tilespmem:s26+$0xC1B0]  }
0xc5: {  	v13 =	vld [tilespmem:s26+$0xC1C0]  }
0xc6: {  	v14 =	vld [tilespmem:s26+$0xC1D0]  }
0xc7: {  	v0 =	vld [tilespmem:s26+$0xC1E0]  }
0xc8: {  	[tilespmem:s26+$0x4100] =	vst.add.f32.msk $0xffff, v1  }
0xc9: {  	[tilespmem:s26+$0x4110] =	vst.add.f32.msk $0xffff, v2  }
0xca: {  	[tilespmem:s26+$0x4120] =	vst.add.f32.msk $0xffff, v3  }
0xcb: {  	[tilespmem:s26+$0x4130] =	vst.add.f32.msk $0xffff, v4  }
0xcc: {  	[tilespmem:s26+$0x4140] =	vst.add.f32.msk $0xffff, v5  }
0xcd: {  	[tilespmem:s26+$0x4150] =	vst.add.f32.msk $0xffff, v6  }
0xce: {  	[tilespmem:s26+$0x4160] =	vst.add.f32.msk $0xffff, v7  }
0xcf: {  	[tilespmem:s26+$0x4170] =	vst.add.f32.msk $0xffff, v8  }
0xd0: {  	[tilespmem:s26+$0x4180] =	vst.add.f32.msk $0xffff, v9  }
.Ltmp1:
0xd1: {  	[tilespmem:s26+$0x4190] =	vst.add.f32.msk $0xffff, v10;
	(pc) =	sbr.rel @p0 .LBB2_5-.Ltmp1, $4  }
0xd2: {  	[tilespmem:s26+$0x41A0] =	vst.add.f32.msk $0xffff, v11  }
0xd3: {  	[tilespmem:s26+$0x41B0] =	vst.add.f32.msk $0xffff, v12  }
0xd4: {  	[tilespmem:s26+$0x41C0] =	vst.add.f32.msk $0xffff, v13  }
0xd5: {  	s30 =	sadd.s32 $0x400, s30;
	[tilespmem:s26+$0x41D0] =	vst.add.f32.msk $0xffff, v14  }
0xd6: {  	s25 =	sadd.s32 $0x1, s25  }
0xd7: {  	p0 =	sne.s32 s25, $0x20  }
.Ltmp2:
0xd8: {  	_ = 	snop;
	(pc) =	sbr.rel @p0 .LBB2_2-.Ltmp2, $3  }
0xd9: {  	_ =	sdelay $0x1  }
0xda: {  	[tilespmem:s26+$0x41E0] =	vst.add.f32.msk $0xffff, v0;
	s31 =	sadd.s32 s4, s28  }
0xdb: {  	[hbm4b:s31+s5] =	stream.linear.scatter [tilespmem:s18], [sflag:$0x8], $0x4000, $0x38;
	[tilespmem:$0x10100] =	vst v63  }
0xdc: {  	s24 =	sadd.s32 $0x1, s24  }
0xdd: {  	_ =	swait.ge [sflag:s22], $0x4000;
	p0 =	sne.s32 s24, s10  }
.Ltmp3:
0xde: {  	[sflag:s22] =	ssyncset.done $0x0;
	(pc) =	sbr.rel @p0 .LBB2_1-.Ltmp3, $4  }
0xdf: {  	[sflag:s22] =	ssyncadd.s32 $0xFFFFC000  }
0xe0: {  	_ =	swait.ge [sflag:s23], $0x4000  }
0xe1: {  	[sflag:s23] =	ssyncset.done $0x0  }
0xe2: {  	[sflag:s23] =	ssyncadd.s32 $0xFFFFC000  }
0xe3: {  	_ =	sfence.sel $0x180000  }
0xe4: {  	[bflag:$0x0] =	sbarrier.arrive $0xFFFF  }
0xe5: {  	p0 =	sne.s32 s3, $0x0;
	_ =	strace $0x90000047  }
0xe6: {  	s0 =	sadd.s32 @!p0 $0x100000, s0;
	[bflag:$0x2] =	sbarrier.arrive $0xFFFF  }
0xe7: {  	[sflag:s0] =	ssyncadd.tile.s32 @!p0 $0x1;
	_ =	shalt  }
.Lfunc_end2:
_tile_overlayer_lowered:
.L_overlay_start_2:
0xe8: {  	(tag) =	ssettag $0x2  }
0xe9: {  	s0 =	rddreg [dreg:$0x0];
	s2 =	stileid.u32  }
0xea: {  	s1 =	rddreg [dreg:$0x1];
	p0 =	sne.s32 s2, $0x0  }
0xeb: {  	s3 =	rddreg [dreg:$0x2];
	[bflag:$0x3] =	sbarrier.arrive $0xFFFF;
	s2 =	simm.s32 @!p0 $0x1C09  }
0xec: {  	[timem:s3], [sflag:s2] =	dma.local @!p0 [hbm:s0], s1  }
0xed: {  	s0 =	simm.s32 @!p0 $0x9  }
0xee: {  	_ =	swait.ge @!p0 [sflag:s0], s1  }
0xef: {  	s1 =	ssub.s32 @!p0 $0x0, s1;
	[sflag:s0] =	ssyncset.done @!p0 $0x0  }
0xf0: {  	[sflag:s0] =	ssyncadd.s32 @!p0 s1  }
0xf1: {  	[bflag:$0x3] =	sbarrier.arrive $0xFFFF  }
0xf2: {  	_ =	shalt  }

</sc_bundles>
